<compile_context>
chip_gen: v7x
topology: tpu7x:2x2x1
jax: 0.10.2.dev20260603
libtpu: 0.0.44.dev20260713+nightly
codegen_flags: <defaults>
</compile_context>

<pallas_src>
import functools

import jax
import jax.numpy as jnp
from jax import lax
from jax.experimental import pallas as pl
from jax.experimental.pallas import tpu as pltpu
from jax.experimental.pallas import tpu_sc as plsc

_NUM_CORES = 2
_NUM_SUBCORES = 16
_NUM_WORKERS = _NUM_CORES * _NUM_SUBCORES
_CHUNK = 8
_NBUF = 7


def _gather_call(input_ids, token_embeds):
    batch, seq_len = input_ids.shape
    embed_dim = token_embeds.shape[1]
    num_tokens = batch * seq_len
    bpw = num_tokens // _NUM_WORKERS
    wpb = seq_len // bpw
    nch = bpw // _CHUNK
    assert nch >= _NBUF and _CHUNK % 8 == 0
    mesh = plsc.VectorSubcoreMesh(core_axis_name="core", subcore_axis_name="subcore")

    @functools.partial(
        pl.kernel,
        out_type=jax.ShapeDtypeStruct((batch, seq_len, embed_dim), token_embeds.dtype),
        mesh=mesh,
        scratch_types=(
            [pltpu.VMEM((bpw,), jnp.int32)]
            + [pltpu.VMEM((_CHUNK, embed_dim), jnp.float32) for _ in range(_NBUF)]
            + [pltpu.SemaphoreType.DMA for _ in range(2 * _NBUF)]
        ),
    )
    def gather_kernel(tab_hbm, idx_hbm, out_hbm, idx_v, *scratch):
        bufs = scratch[:_NBUF]
        gsems = scratch[_NBUF : 2 * _NBUF]
        osems = scratch[2 * _NBUF :]
        wid = lax.axis_index("core") * _NUM_SUBCORES + lax.axis_index("subcore")
        b_row = wid // wpb
        s_base = (wid % wpb) * bpw
        pltpu.sync_copy(idx_hbm.at[b_row, pl.ds(s_base, bpw)], idx_v)

        def gather_cp(c, b):
            return pltpu.make_async_copy(
                tab_hbm.at[idx_v.at[pl.ds(c * _CHUNK, _CHUNK)]], bufs[b], gsems[b]
            )

        def out_cp(c, b):
            return pltpu.make_async_copy(
                bufs[b],
                out_hbm.at[b_row, pl.ds(s_base + c * _CHUNK, _CHUNK)],
                osems[b],
            )

        for b in range(_NBUF):
            gather_cp(b, b).start()

        @pl.loop(0, nch, step=_NBUF)
        def _(c):
            for b in range(_NBUF):

                @pl.when(c + b < nch)
                def _():
                    gather_cp(c + b, b).wait()
                    out_cp(c + b, b).start()

            for b in range(_NBUF):

                @pl.when(c + b < nch)
                def _():
                    out_cp(c + b, b).wait()

                @pl.when(c + _NBUF + b < nch)
                def _():
                    gather_cp(c + _NBUF + b, b).start()

    return gather_kernel(token_embeds, input_ids)


def kernel(input_ids, token_embeds):
    return _gather_call(input_ids.astype(jnp.int32), token_embeds)

# --- scband reference (transcript-rebuilt; emitter-appended) ---
"""Pipeline reference for scband-qwen2-model-3762391351743 (READ-ONLY COPY).

The authoritative reference and input builder live on the scoring server;
editing this copy changes nothing except your own understanding.
"""

import jax, jax.numpy as jnp
import numpy as np

VOCAB_SIZE = 100000
EMBED_DIM = 2048
BATCH = 4
SEQ_LEN = 4096

def setup_inputs(seed: int = 0) -> dict:
    key = jax.random.key(seed)
    k_ids, k_tab = jax.random.split(key)
    input_ids = jax.random.randint(k_ids, (BATCH, SEQ_LEN), 0, VOCAB_SIZE, dtype=jnp.int64 if jax.config.jax_enable_x64 else jnp.int32)
    token_embeds = jax.random.normal(k_tab, (VOCAB_SIZE, EMBED_DIM), dtype=jnp.float32) * 0.02
    return {"input_ids": input_ids, "token_embeds": token_embeds}

def reference(input_ids, token_embeds):
    # nn.Embedding forward: gather rows of the table by token id
    return jnp.take(token_embeds, input_ids, axis=0)

if __name__ == "__main__":
    import jax
    _d = setup_inputs()
    print(jax.jit(kernel)(*tuple(_d.values())))

</pallas_src>

<mosaic_0001>
#map = affine_map<(d0, d1) -> (0, 0)>
#map1 = affine_map<(d0, d1) -> (0, 0, 0)>
module attributes {stable_mosaic.version = 14 : i64} {
  func.func @gather_kernel(%arg0: i32, %arg1: i32, %arg2: memref<100000x2048xf32, #tpu.memory_space<hbm>>, %arg3: memref<4x4096xi32, #tpu.memory_space<hbm>>, %arg4: memref<4x4096x2048xf32, #tpu.memory_space<hbm>>, %arg5: memref<512xi32, #tpu.memory_space<vmem>>, %arg6: memref<8x2048xf32, #tpu.memory_space<vmem>>, %arg7: memref<8x2048xf32, #tpu.memory_space<vmem>>, %arg8: memref<8x2048xf32, #tpu.memory_space<vmem>>, %arg9: memref<8x2048xf32, #tpu.memory_space<vmem>>, %arg10: memref<8x2048xf32, #tpu.memory_space<vmem>>, %arg11: memref<8x2048xf32, #tpu.memory_space<vmem>>, %arg12: memref<8x2048xf32, #tpu.memory_space<vmem>>, %arg13: memref<!tpu.dma_semaphore, #tpu.memory_space<semaphore_mem>>, %arg14: memref<!tpu.dma_semaphore, #tpu.memory_space<semaphore_mem>>, %arg15: memref<!tpu.dma_semaphore, #tpu.memory_space<semaphore_mem>>, %arg16: memref<!tpu.dma_semaphore, #tpu.memory_space<semaphore_mem>>, %arg17: memref<!tpu.dma_semaphore, #tpu.memory_space<semaphore_mem>>, %arg18: memref<!tpu.dma_semaphore, #tpu.memory_space<semaphore_mem>>, %arg19: memref<!tpu.dma_semaphore, #tpu.memory_space<semaphore_mem>>, %arg20: memref<!tpu.dma_semaphore, #tpu.memory_space<semaphore_mem>>, %arg21: memref<!tpu.dma_semaphore, #tpu.memory_space<semaphore_mem>>, %arg22: memref<!tpu.dma_semaphore, #tpu.memory_space<semaphore_mem>>, %arg23: memref<!tpu.dma_semaphore, #tpu.memory_space<semaphore_mem>>, %arg24: memref<!tpu.dma_semaphore, #tpu.memory_space<semaphore_mem>>, %arg25: memref<!tpu.dma_semaphore, #tpu.memory_space<semaphore_mem>>, %arg26: memref<!tpu.dma_semaphore, #tpu.memory_space<semaphore_mem>>) attributes {dimension_semantics = [#tpu.dimension_semantics<core_parallel>, #tpu.dimension_semantics<subcore_parallel>], iteration_bounds = array<i64: 2, 16>, scalar_prefetch = 0 : i64, scratch_operands = 22 : i64, tpu.core_type = #tpu.core_type<sc_vector_subcore>, window_params = [{transform_indices = #map}, {transform_indices = #map}, {transform_indices = #map1}]} {
    %mul3A = arith.constant 16 : i32
    %mul3A_0 = arith.muli %arg0, %mul3A : i32
    %add3A = arith.addi %mul3A_0, %arg1 : i32
    %jit3A = arith.constant 8 : i32
    %div3A = arith.divsi %add3A, %jit3A : i32
    %sign3A = arith.constant 0 : i32
    %sign3A_1 = arith.cmpi sgt, %add3A, %sign3A : i32
    %sign3A_2 = arith.extui %sign3A_1 : i1 to i32
    %sign3A_3 = arith.constant 0 : i32
    %sign3A_4 = arith.cmpi slt, %add3A, %sign3A_3 : i32
    %sign3A_5 = arith.extui %sign3A_4 : i1 to i32
    %sign3A_6 = arith.subi %sign3A_2, %sign3A_5 : i32
    %sign3A_7 = arith.constant 0 : i32
    %sign3A_8 = arith.cmpi sgt, %jit3A, %sign3A_7 : i32
    %sign3A_9 = arith.extui %sign3A_8 : i1 to i32
    %sign3A_10 = arith.constant 0 : i32
    %sign3A_11 = arith.cmpi slt, %jit3A, %sign3A_10 : i32
    %sign3A_12 = arith.extui %sign3A_11 : i1 to i32
    %sign3A_13 = arith.subi %sign3A_9, %sign3A_12 : i32
    %ne3A = arith.cmpi ne, %sign3A_6, %sign3A_13 : i32
    %rem3A = arith.remsi %add3A, %jit3A : i32
    %ne3A_14 = arith.constant 0 : i32
    %ne3A_15 = arith.cmpi ne, %rem3A, %ne3A_14 : i32
    %and3A = arith.andi %ne3A, %ne3A_15 : i1
    %sub3A = arith.constant 1 : i32
    %sub3A_16 = arith.subi %div3A, %sub3A : i32
    %select_n3A = arith.select %and3A, %sub3A_16, %div3A : i32
    %jit3A_17 = arith.constant 8 : i32
    %eq3A = arith.constant 0 : i32
    %eq3A_18 = arith.cmpi eq, %jit3A_17, %eq3A : i32
    %jit3A_19 = arith.constant 1 : i32
    %select_n3A_20 = arith.select %eq3A_18, %jit3A_19, %jit3A_17 : i32
    %rem3A_21 = arith.remsi %add3A, %select_n3A_20 : i32
    %ne3A_22 = arith.constant 0 : i32
    %ne3A_23 = arith.cmpi ne, %rem3A_21, %ne3A_22 : i32
    %lt3A = arith.constant 0 : i32
    %lt3A_24 = arith.cmpi slt, %rem3A_21, %lt3A : i32
    %lt3A_25 = arith.constant 0 : i32
    %lt3A_26 = arith.cmpi slt, %select_n3A_20, %lt3A_25 : i32
    %ne3A_27 = arith.xori %lt3A_24, %lt3A_26 : i1
    %and3A_28 = arith.andi %ne3A_27, %ne3A_23 : i1
    %add3A_29 = arith.addi %rem3A_21, %select_n3A_20 : i32
    %select_n3A_30 = arith.select %and3A_28, %add3A_29, %rem3A_21 : i32
    %mul3A_31 = arith.constant 512 : i32
    %mul3A_32 = arith.muli %select_n3A_30, %mul3A_31 : i32
    "tpu.region"() ({
      %run_scoped3A = tpu.sem_alloc : memref<!tpu.dma_semaphore, #tpu.memory_space<semaphore_mem>>
      %dma_start3A_71 = tpu.memref_slice %arg3[%select_n3A, %mul3A_32] : memref<4x4096xi32, #tpu.memory_space<hbm>> -> memref<1x512xi32, #tpu.memory_space<hbm>>
      %dma_start3A_72 = tpu.memref_squeeze %dma_start3A_71 : memref<1x512xi32, #tpu.memory_space<hbm>> -> memref<512xi32, #tpu.memory_space<hbm>>
      %dma_start3A_73 = tpu.memref_slice %arg3[%select_n3A, %mul3A_32] : memref<4x4096xi32, #tpu.memory_space<hbm>> -> memref<1x512xi32, #tpu.memory_space<hbm>>
      %dma_start3A_74 = tpu.memref_squeeze %dma_start3A_73 : memref<1x512xi32, #tpu.memory_space<hbm>> -> memref<512xi32, #tpu.memory_space<hbm>>
      tpu.enqueue_dma source(%dma_start3A_74 : memref<512xi32, #tpu.memory_space<hbm>>) target(%arg5 : memref<512xi32, #tpu.memory_space<vmem>>) target_semaphore(%run_scoped3A : memref<!tpu.dma_semaphore, #tpu.memory_space<semaphore_mem>>)
      %dma_wait3A = tpu.memref_slice %arg3[%select_n3A, %mul3A_32] : memref<4x4096xi32, #tpu.memory_space<hbm>> -> memref<1x512xi32, #tpu.memory_space<hbm>>
      %dma_wait3A_75 = tpu.memref_squeeze %dma_wait3A : memref<1x512xi32, #tpu.memory_space<hbm>> -> memref<512xi32, #tpu.memory_space<hbm>>
      %dma_wait3A_76 = tpu.memref_slice %arg3[%select_n3A, %mul3A_32] : memref<4x4096xi32, #tpu.memory_space<hbm>> -> memref<1x512xi32, #tpu.memory_space<hbm>>
      %dma_wait3A_77 = tpu.memref_squeeze %dma_wait3A_76 : memref<1x512xi32, #tpu.memory_space<hbm>> -> memref<512xi32, #tpu.memory_space<hbm>>
      tpu.wait_dma2 semaphore(%run_scoped3A : memref<!tpu.dma_semaphore, #tpu.memory_space<semaphore_mem>>) src(%dma_wait3A_77 : memref<512xi32, #tpu.memory_space<hbm>>) dst(%arg5 : memref<512xi32, #tpu.memory_space<vmem>>)
      tpu.yield
    }) : () -> ()
    %dma_start3A = arith.constant 0 : i32
    %dma_start3A_33 = tpu.memref_slice %arg5[%dma_start3A] : memref<512xi32, #tpu.memory_space<vmem>> -> memref<8xi32, #tpu.memory_space<vmem>>
    %dma_start3A_34 = arith.constant 0 : i32
    %dma_start3A_35 = arith.constant 0 : i32
    %dma_start3A_36 = tpu.memref_slice %arg2[%dma_start3A_34, %dma_start3A_35] : memref<100000x2048xf32, #tpu.memory_space<hbm>> -> memref<100000x2048xf32, #tpu.memory_space<hbm>>
    tpu.enqueue_indirect_dma source(%dma_start3A_36 : memref<100000x2048xf32, #tpu.memory_space<hbm>>) target(%arg6 : memref<8x2048xf32, #tpu.memory_space<vmem>>) offsets(%dma_start3A_33 : memref<8xi32, #tpu.memory_space<vmem>>) semaphore(%arg13 : memref<!tpu.dma_semaphore, #tpu.memory_space<semaphore_mem>>)
    %dma_start3A_37 = arith.constant 8 : i32
    %dma_start3A_38 = tpu.memref_slice %arg5[%dma_start3A_37] : memref<512xi32, #tpu.memory_space<vmem>> -> memref<8xi32, #tpu.memory_space<vmem>>
    %dma_start3A_39 = arith.constant 0 : i32
    %dma_start3A_40 = arith.constant 0 : i32
    %dma_start3A_41 = tpu.memref_slice %arg2[%dma_start3A_39, %dma_start3A_40] : memref<100000x2048xf32, #tpu.memory_space<hbm>> -> memref<100000x2048xf32, #tpu.memory_space<hbm>>
    tpu.enqueue_indirect_dma source(%dma_start3A_41 : memref<100000x2048xf32, #tpu.memory_space<hbm>>) target(%arg7 : memref<8x2048xf32, #tpu.memory_space<vmem>>) offsets(%dma_start3A_38 : memref<8xi32, #tpu.memory_space<vmem>>) semaphore(%arg14 : memref<!tpu.dma_semaphore, #tpu.memory_space<semaphore_mem>>)
    %dma_start3A_42 = arith.constant 16 : i32
    %dma_start3A_43 = tpu.memref_slice %arg5[%dma_start3A_42] : memref<512xi32, #tpu.memory_space<vmem>> -> memref<8xi32, #tpu.memory_space<vmem>>
    %dma_start3A_44 = arith.constant 0 : i32
    %dma_start3A_45 = arith.constant 0 : i32
    %dma_start3A_46 = tpu.memref_slice %arg2[%dma_start3A_44, %dma_start3A_45] : memref<100000x2048xf32, #tpu.memory_space<hbm>> -> memref<100000x2048xf32, #tpu.memory_space<hbm>>
    tpu.enqueue_indirect_dma source(%dma_start3A_46 : memref<100000x2048xf32, #tpu.memory_space<hbm>>) target(%arg8 : memref<8x2048xf32, #tpu.memory_space<vmem>>) offsets(%dma_start3A_43 : memref<8xi32, #tpu.memory_space<vmem>>) semaphore(%arg15 : memref<!tpu.dma_semaphore, #tpu.memory_space<semaphore_mem>>)
    %dma_start3A_47 = arith.constant 24 : i32
    %dma_start3A_48 = tpu.memref_slice %arg5[%dma_start3A_47] : memref<512xi32, #tpu.memory_space<vmem>> -> memref<8xi32, #tpu.memory_space<vmem>>
    %dma_start3A_49 = arith.constant 0 : i32
    %dma_start3A_50 = arith.constant 0 : i32
    %dma_start3A_51 = tpu.memref_slice %arg2[%dma_start3A_49, %dma_start3A_50] : memref<100000x2048xf32, #tpu.memory_space<hbm>> -> memref<100000x2048xf32, #tpu.memory_space<hbm>>
    tpu.enqueue_indirect_dma source(%dma_start3A_51 : memref<100000x2048xf32, #tpu.memory_space<hbm>>) target(%arg9 : memref<8x2048xf32, #tpu.memory_space<vmem>>) offsets(%dma_start3A_48 : memref<8xi32, #tpu.memory_space<vmem>>) semaphore(%arg16 : memref<!tpu.dma_semaphore, #tpu.memory_space<semaphore_mem>>)
    %dma_start3A_52 = arith.constant 32 : i32
    %dma_start3A_53 = tpu.memref_slice %arg5[%dma_start3A_52] : memref<512xi32, #tpu.memory_space<vmem>> -> memref<8xi32, #tpu.memory_space<vmem>>
    %dma_start3A_54 = arith.constant 0 : i32
    %dma_start3A_55 = arith.constant 0 : i32
    %dma_start3A_56 = tpu.memref_slice %arg2[%dma_start3A_54, %dma_start3A_55] : memref<100000x2048xf32, #tpu.memory_space<hbm>> -> memref<100000x2048xf32, #tpu.memory_space<hbm>>
    tpu.enqueue_indirect_dma source(%dma_start3A_56 : memref<100000x2048xf32, #tpu.memory_space<hbm>>) target(%arg10 : memref<8x2048xf32, #tpu.memory_space<vmem>>) offsets(%dma_start3A_53 : memref<8xi32, #tpu.memory_space<vmem>>) semaphore(%arg17 : memref<!tpu.dma_semaphore, #tpu.memory_space<semaphore_mem>>)
    %dma_start3A_57 = arith.constant 40 : i32
    %dma_start3A_58 = tpu.memref_slice %arg5[%dma_start3A_57] : memref<512xi32, #tpu.memory_space<vmem>> -> memref<8xi32, #tpu.memory_space<vmem>>
    %dma_start3A_59 = arith.constant 0 : i32
    %dma_start3A_60 = arith.constant 0 : i32
    %dma_start3A_61 = tpu.memref_slice %arg2[%dma_start3A_59, %dma_start3A_60] : memref<100000x2048xf32, #tpu.memory_space<hbm>> -> memref<100000x2048xf32, #tpu.memory_space<hbm>>
    tpu.enqueue_indirect_dma source(%dma_start3A_61 : memref<100000x2048xf32, #tpu.memory_space<hbm>>) target(%arg11 : memref<8x2048xf32, #tpu.memory_space<vmem>>) offsets(%dma_start3A_58 : memref<8xi32, #tpu.memory_space<vmem>>) semaphore(%arg18 : memref<!tpu.dma_semaphore, #tpu.memory_space<semaphore_mem>>)
    %dma_start3A_62 = arith.constant 48 : i32
    %dma_start3A_63 = tpu.memref_slice %arg5[%dma_start3A_62] : memref<512xi32, #tpu.memory_space<vmem>> -> memref<8xi32, #tpu.memory_space<vmem>>
    %dma_start3A_64 = arith.constant 0 : i32
    %dma_start3A_65 = arith.constant 0 : i32
    %dma_start3A_66 = tpu.memref_slice %arg2[%dma_start3A_64, %dma_start3A_65] : memref<100000x2048xf32, #tpu.memory_space<hbm>> -> memref<100000x2048xf32, #tpu.memory_space<hbm>>
    tpu.enqueue_indirect_dma source(%dma_start3A_66 : memref<100000x2048xf32, #tpu.memory_space<hbm>>) target(%arg12 : memref<8x2048xf32, #tpu.memory_space<vmem>>) offsets(%dma_start3A_63 : memref<8xi32, #tpu.memory_space<vmem>>) semaphore(%arg19 : memref<!tpu.dma_semaphore, #tpu.memory_space<semaphore_mem>>)
    %scan3A = arith.constant 0 : i32
    %scan3A_67 = arith.constant 10 : i32
    %scan3A_68 = arith.addi %scan3A, %scan3A_67 : i32
    %scan3A_69 = arith.constant 1 : i32
    scf.for %scan3A_71 = %scan3A to %scan3A_68 step %scan3A_69  : i32 {
      %mul3A_72 = arith.constant 7 : i32
      %mul3A_73 = arith.muli %scan3A_71, %mul3A_72 : i32
      %add3A_74 = arith.constant 0 : i32
      %add3A_75 = arith.addi %add3A_74, %mul3A_73 : i32
      %add3A_76 = arith.constant 0 : i32
      %add3A_77 = arith.addi %add3A_75, %add3A_76 : i32
      %lt3A_78 = arith.constant 64 : i32
      %lt3A_79 = arith.cmpi slt, %add3A_77, %lt3A_78 : i32
      %convert_element_type3A = arith.extui %lt3A_79 : i1 to i32
      %cond3A = arith.constant 0 : i32
      %cond3A_80 = arith.cmpi ne, %convert_element_type3A, %cond3A : i32
      scf.if %cond3A_80 {
        %add3A_235 = arith.constant 0 : i32
        %add3A_236 = arith.addi %add3A_75, %add3A_235 : i32
        %mul3A_237 = arith.constant 8 : i32
        %mul3A_238 = arith.muli %add3A_236, %mul3A_237 : i32
        %dma_wait3A = tpu.memref_slice %arg5[%mul3A_238] : memref<512xi32, #tpu.memory_space<vmem>> -> memref<8xi32, #tpu.memory_space<vmem>>
        %dma_wait3A_239 = arith.constant 0 : i32
        %dma_wait3A_240 = arith.constant 0 : i32
        %dma_wait3A_241 = tpu.memref_slice %arg2[%dma_wait3A_239, %dma_wait3A_240] : memref<100000x2048xf32, #tpu.memory_space<hbm>> -> memref<100000x2048xf32, #tpu.memory_space<hbm>>
        tpu.wait_indirect_dma semaphore(%arg13 : memref<!tpu.dma_semaphore, #tpu.memory_space<semaphore_mem>>) src(%dma_wait3A_241 : memref<100000x2048xf32, #tpu.memory_space<hbm>>) dst(%arg6 : memref<8x2048xf32, #tpu.memory_space<vmem>>)
        %add3A_242 = arith.constant 0 : i32
        %add3A_243 = arith.addi %add3A_75, %add3A_242 : i32
        %mul3A_244 = arith.constant 8 : i32
        %mul3A_245 = arith.muli %add3A_243, %mul3A_244 : i32
        %add3A_246 = arith.addi %mul3A_32, %mul3A_245 : i32
        %dma_start3A_247 = arith.constant 0 : i32
        %dma_start3A_248 = tpu.memref_slice %arg4[%select_n3A, %add3A_246, %dma_start3A_247] : memref<4x4096x2048xf32, #tpu.memory_space<hbm>> -> memref<1x8x2048xf32, #tpu.memory_space<hbm>>
        %dma_start3A_249 = tpu.memref_squeeze %dma_start3A_248 : memref<1x8x2048xf32, #tpu.memory_space<hbm>> -> memref<8x2048xf32, #tpu.memory_space<hbm>>
        %dma_start3A_250 = arith.constant 0 : i32
        %dma_start3A_251 = tpu.memref_slice %arg4[%select_n3A, %add3A_246, %dma_start3A_250] : memref<4x4096x2048xf32, #tpu.memory_space<hbm>> -> memref<1x8x2048xf32, #tpu.memory_space<hbm>>
        %dma_start3A_252 = tpu.memref_squeeze %dma_start3A_251 : memref<1x8x2048xf32, #tpu.memory_space<hbm>> -> memref<8x2048xf32, #tpu.memory_space<hbm>>
        tpu.enqueue_dma source(%arg6 : memref<8x2048xf32, #tpu.memory_space<vmem>>) target(%dma_start3A_252 : memref<8x2048xf32, #tpu.memory_space<hbm>>) target_semaphore(%arg20 : memref<!tpu.dma_semaphore, #tpu.memory_space<semaphore_mem>>)
      } else {
      }
      %add3A_81 = arith.constant 1 : i32
      %add3A_82 = arith.addi %add3A_75, %add3A_81 : i32
      %lt3A_83 = arith.constant 64 : i32
      %lt3A_84 = arith.cmpi slt, %add3A_82, %lt3A_83 : i32
      %convert_element_type3A_85 = arith.extui %lt3A_84 : i1 to i32
      %cond3A_86 = arith.constant 0 : i32
      %cond3A_87 = arith.cmpi ne, %convert_element_type3A_85, %cond3A_86 : i32
      scf.if %cond3A_87 {
        %add3A_235 = arith.constant 1 : i32
        %add3A_236 = arith.addi %add3A_75, %add3A_235 : i32
        %mul3A_237 = arith.constant 8 : i32
        %mul3A_238 = arith.muli %add3A_236, %mul3A_237 : i32
        %dma_wait3A = tpu.memref_slice %arg5[%mul3A_238] : memref<512xi32, #tpu.memory_space<vmem>> -> memref<8xi32, #tpu.memory_space<vmem>>
        %dma_wait3A_239 = arith.constant 0 : i32
        %dma_wait3A_240 = arith.constant 0 : i32
        %dma_wait3A_241 = tpu.memref_slice %arg2[%dma_wait3A_239, %dma_wait3A_240] : memref<100000x2048xf32, #tpu.memory_space<hbm>> -> memref<100000x2048xf32, #tpu.memory_space<hbm>>
        tpu.wait_indirect_dma semaphore(%arg14 : memref<!tpu.dma_semaphore, #tpu.memory_space<semaphore_mem>>) src(%dma_wait3A_241 : memref<100000x2048xf32, #tpu.memory_space<hbm>>) dst(%arg7 : memref<8x2048xf32, #tpu.memory_space<vmem>>)
        %add3A_242 = arith.constant 1 : i32
        %add3A_243 = arith.addi %add3A_75, %add3A_242 : i32
        %mul3A_244 = arith.constant 8 : i32
        %mul3A_245 = arith.muli %add3A_243, %mul3A_244 : i32
        %add3A_246 = arith.addi %mul3A_32, %mul3A_245 : i32
        %dma_start3A_247 = arith.constant 0 : i32
        %dma_start3A_248 = tpu.memref_slice %arg4[%select_n3A, %add3A_246, %dma_start3A_247] : memref<4x4096x2048xf32, #tpu.memory_space<hbm>> -> memref<1x8x2048xf32, #tpu.memory_space<hbm>>
        %dma_start3A_249 = tpu.memref_squeeze %dma_start3A_248 : memref<1x8x2048xf32, #tpu.memory_space<hbm>> -> memref<8x2048xf32, #tpu.memory_space<hbm>>
        %dma_start3A_250 = arith.constant 0 : i32
        %dma_start3A_251 = tpu.memref_slice %arg4[%select_n3A, %add3A_246, %dma_start3A_250] : memref<4x4096x2048xf32, #tpu.memory_space<hbm>> -> memref<1x8x2048xf32, #tpu.memory_space<hbm>>
        %dma_start3A_252 = tpu.memref_squeeze %dma_start3A_251 : memref<1x8x2048xf32, #tpu.memory_space<hbm>> -> memref<8x2048xf32, #tpu.memory_space<hbm>>
        tpu.enqueue_dma source(%arg7 : memref<8x2048xf32, #tpu.memory_space<vmem>>) target(%dma_start3A_252 : memref<8x2048xf32, #tpu.memory_space<hbm>>) target_semaphore(%arg21 : memref<!tpu.dma_semaphore, #tpu.memory_space<semaphore_mem>>)
      } else {
      }
      %add3A_88 = arith.constant 2 : i32
      %add3A_89 = arith.addi %add3A_75, %add3A_88 : i32
      %lt3A_90 = arith.constant 64 : i32
      %lt3A_91 = arith.cmpi slt, %add3A_89, %lt3A_90 : i32
      %convert_element_type3A_92 = arith.extui %lt3A_91 : i1 to i32
      %cond3A_93 = arith.constant 0 : i32
      %cond3A_94 = arith.cmpi ne, %convert_element_type3A_92, %cond3A_93 : i32
      scf.if %cond3A_94 {
        %add3A_235 = arith.constant 2 : i32
        %add3A_236 = arith.addi %add3A_75, %add3A_235 : i32
        %mul3A_237 = arith.constant 8 : i32
        %mul3A_238 = arith.muli %add3A_236, %mul3A_237 : i32
        %dma_wait3A = tpu.memref_slice %arg5[%mul3A_238] : memref<512xi32, #tpu.memory_space<vmem>> -> memref<8xi32, #tpu.memory_space<vmem>>
        %dma_wait3A_239 = arith.constant 0 : i32
        %dma_wait3A_240 = arith.constant 0 : i32
        %dma_wait3A_241 = tpu.memref_slice %arg2[%dma_wait3A_239, %dma_wait3A_240] : memref<100000x2048xf32, #tpu.memory_space<hbm>> -> memref<100000x2048xf32, #tpu.memory_space<hbm>>
        tpu.wait_indirect_dma semaphore(%arg15 : memref<!tpu.dma_semaphore, #tpu.memory_space<semaphore_mem>>) src(%dma_wait3A_241 : memref<100000x2048xf32, #tpu.memory_space<hbm>>) dst(%arg8 : memref<8x2048xf32, #tpu.memory_space<vmem>>)
        %add3A_242 = arith.constant 2 : i32
        %add3A_243 = arith.addi %add3A_75, %add3A_242 : i32
        %mul3A_244 = arith.constant 8 : i32
        %mul3A_245 = arith.muli %add3A_243, %mul3A_244 : i32
        %add3A_246 = arith.addi %mul3A_32, %mul3A_245 : i32
        %dma_start3A_247 = arith.constant 0 : i32
        %dma_start3A_248 = tpu.memref_slice %arg4[%select_n3A, %add3A_246, %dma_start3A_247] : memref<4x4096x2048xf32, #tpu.memory_space<hbm>> -> memref<1x8x2048xf32, #tpu.memory_space<hbm>>
        %dma_start3A_249 = tpu.memref_squeeze %dma_start3A_248 : memref<1x8x2048xf32, #tpu.memory_space<hbm>> -> memref<8x2048xf32, #tpu.memory_space<hbm>>
        %dma_start3A_250 = arith.constant 0 : i32
        %dma_start3A_251 = tpu.memref_slice %arg4[%select_n3A, %add3A_246, %dma_start3A_250] : memref<4x4096x2048xf32, #tpu.memory_space<hbm>> -> memref<1x8x2048xf32, #tpu.memory_space<hbm>>
        %dma_start3A_252 = tpu.memref_squeeze %dma_start3A_251 : memref<1x8x2048xf32, #tpu.memory_space<hbm>> -> memref<8x2048xf32, #tpu.memory_space<hbm>>
        tpu.enqueue_dma source(%arg8 : memref<8x2048xf32, #tpu.memory_space<vmem>>) target(%dma_start3A_252 : memref<8x2048xf32, #tpu.memory_space<hbm>>) target_semaphore(%arg22 : memref<!tpu.dma_semaphore, #tpu.memory_space<semaphore_mem>>)
      } else {
      }
      %add3A_95 = arith.constant 3 : i32
      %add3A_96 = arith.addi %add3A_75, %add3A_95 : i32
      %lt3A_97 = arith.constant 64 : i32
      %lt3A_98 = arith.cmpi slt, %add3A_96, %lt3A_97 : i32
      %convert_element_type3A_99 = arith.extui %lt3A_98 : i1 to i32
      %cond3A_100 = arith.constant 0 : i32
      %cond3A_101 = arith.cmpi ne, %convert_element_type3A_99, %cond3A_100 : i32
      scf.if %cond3A_101 {
        %add3A_235 = arith.constant 3 : i32
        %add3A_236 = arith.addi %add3A_75, %add3A_235 : i32
        %mul3A_237 = arith.constant 8 : i32
        %mul3A_238 = arith.muli %add3A_236, %mul3A_237 : i32
        %dma_wait3A = tpu.memref_slice %arg5[%mul3A_238] : memref<512xi32, #tpu.memory_space<vmem>> -> memref<8xi32, #tpu.memory_space<vmem>>
        %dma_wait3A_239 = arith.constant 0 : i32
        %dma_wait3A_240 = arith.constant 0 : i32
        %dma_wait3A_241 = tpu.memref_slice %arg2[%dma_wait3A_239, %dma_wait3A_240] : memref<100000x2048xf32, #tpu.memory_space<hbm>> -> memref<100000x2048xf32, #tpu.memory_space<hbm>>
        tpu.wait_indirect_dma semaphore(%arg16 : memref<!tpu.dma_semaphore, #tpu.memory_space<semaphore_mem>>) src(%dma_wait3A_241 : memref<100000x2048xf32, #tpu.memory_space<hbm>>) dst(%arg9 : memref<8x2048xf32, #tpu.memory_space<vmem>>)
        %add3A_242 = arith.constant 3 : i32
        %add3A_243 = arith.addi %add3A_75, %add3A_242 : i32
        %mul3A_244 = arith.constant 8 : i32
        %mul3A_245 = arith.muli %add3A_243, %mul3A_244 : i32
        %add3A_246 = arith.addi %mul3A_32, %mul3A_245 : i32
        %dma_start3A_247 = arith.constant 0 : i32
        %dma_start3A_248 = tpu.memref_slice %arg4[%select_n3A, %add3A_246, %dma_start3A_247] : memref<4x4096x2048xf32, #tpu.memory_space<hbm>> -> memref<1x8x2048xf32, #tpu.memory_space<hbm>>
        %dma_start3A_249 = tpu.memref_squeeze %dma_start3A_248 : memref<1x8x2048xf32, #tpu.memory_space<hbm>> -> memref<8x2048xf32, #tpu.memory_space<hbm>>
        %dma_start3A_250 = arith.constant 0 : i32
        %dma_start3A_251 = tpu.memref_slice %arg4[%select_n3A, %add3A_246, %dma_start3A_250] : memref<4x4096x2048xf32, #tpu.memory_space<hbm>> -> memref<1x8x2048xf32, #tpu.memory_space<hbm>>
        %dma_start3A_252 = tpu.memref_squeeze %dma_start3A_251 : memref<1x8x2048xf32, #tpu.memory_space<hbm>> -> memref<8x2048xf32, #tpu.memory_space<hbm>>
        tpu.enqueue_dma source(%arg9 : memref<8x2048xf32, #tpu.memory_space<vmem>>) target(%dma_start3A_252 : memref<8x2048xf32, #tpu.memory_space<hbm>>) target_semaphore(%arg23 : memref<!tpu.dma_semaphore, #tpu.memory_space<semaphore_mem>>)
      } else {
      }
      %add3A_102 = arith.constant 4 : i32
      %add3A_103 = arith.addi %add3A_75, %add3A_102 : i32
      %lt3A_104 = arith.constant 64 : i32
      %lt3A_105 = arith.cmpi slt, %add3A_103, %lt3A_104 : i32
      %convert_element_type3A_106 = arith.extui %lt3A_105 : i1 to i32
      %cond3A_107 = arith.constant 0 : i32
      %cond3A_108 = arith.cmpi ne, %convert_element_type3A_106, %cond3A_107 : i32
      scf.if %cond3A_108 {
        %add3A_235 = arith.constant 4 : i32
        %add3A_236 = arith.addi %add3A_75, %add3A_235 : i32
        %mul3A_237 = arith.constant 8 : i32
        %mul3A_238 = arith.muli %add3A_236, %mul3A_237 : i32
        %dma_wait3A = tpu.memref_slice %arg5[%mul3A_238] : memref<512xi32, #tpu.memory_space<vmem>> -> memref<8xi32, #tpu.memory_space<vmem>>
        %dma_wait3A_239 = arith.constant 0 : i32
        %dma_wait3A_240 = arith.constant 0 : i32
        %dma_wait3A_241 = tpu.memref_slice %arg2[%dma_wait3A_239, %dma_wait3A_240] : memref<100000x2048xf32, #tpu.memory_space<hbm>> -> memref<100000x2048xf32, #tpu.memory_space<hbm>>
        tpu.wait_indirect_dma semaphore(%arg17 : memref<!tpu.dma_semaphore, #tpu.memory_space<semaphore_mem>>) src(%dma_wait3A_241 : memref<100000x2048xf32, #tpu.memory_space<hbm>>) dst(%arg10 : memref<8x2048xf32, #tpu.memory_space<vmem>>)
        %add3A_242 = arith.constant 4 : i32
        %add3A_243 = arith.addi %add3A_75, %add3A_242 : i32
        %mul3A_244 = arith.constant 8 : i32
        %mul3A_245 = arith.muli %add3A_243, %mul3A_244 : i32
        %add3A_246 = arith.addi %mul3A_32, %mul3A_245 : i32
        %dma_start3A_247 = arith.constant 0 : i32
        %dma_start3A_248 = tpu.memref_slice %arg4[%select_n3A, %add3A_246, %dma_start3A_247] : memref<4x4096x2048xf32, #tpu.memory_space<hbm>> -> memref<1x8x2048xf32, #tpu.memory_space<hbm>>
        %dma_start3A_249 = tpu.memref_squeeze %dma_start3A_248 : memref<1x8x2048xf32, #tpu.memory_space<hbm>> -> memref<8x2048xf32, #tpu.memory_space<hbm>>
        %dma_start3A_250 = arith.constant 0 : i32
        %dma_start3A_251 = tpu.memref_slice %arg4[%select_n3A, %add3A_246, %dma_start3A_250] : memref<4x4096x2048xf32, #tpu.memory_space<hbm>> -> memref<1x8x2048xf32, #tpu.memory_space<hbm>>
        %dma_start3A_252 = tpu.memref_squeeze %dma_start3A_251 : memref<1x8x2048xf32, #tpu.memory_space<hbm>> -> memref<8x2048xf32, #tpu.memory_space<hbm>>
        tpu.enqueue_dma source(%arg10 : memref<8x2048xf32, #tpu.memory_space<vmem>>) target(%dma_start3A_252 : memref<8x2048xf32, #tpu.memory_space<hbm>>) target_semaphore(%arg24 : memref<!tpu.dma_semaphore, #tpu.memory_space<semaphore_mem>>)
      } else {
      }
      %add3A_109 = arith.constant 5 : i32
      %add3A_110 = arith.addi %add3A_75, %add3A_109 : i32
      %lt3A_111 = arith.constant 64 : i32
      %lt3A_112 = arith.cmpi slt, %add3A_110, %lt3A_111 : i32
      %convert_element_type3A_113 = arith.extui %lt3A_112 : i1 to i32
      %cond3A_114 = arith.constant 0 : i32
      %cond3A_115 = arith.cmpi ne, %convert_element_type3A_113, %cond3A_114 : i32
      scf.if %cond3A_115 {
        %add3A_235 = arith.constant 5 : i32
        %add3A_236 = arith.addi %add3A_75, %add3A_235 : i32
        %mul3A_237 = arith.constant 8 : i32
        %mul3A_238 = arith.muli %add3A_236, %mul3A_237 : i32
        %dma_wait3A = tpu.memref_slice %arg5[%mul3A_238] : memref<512xi32, #tpu.memory_space<vmem>> -> memref<8xi32, #tpu.memory_space<vmem>>
        %dma_wait3A_239 = arith.constant 0 : i32
        %dma_wait3A_240 = arith.constant 0 : i32
        %dma_wait3A_241 = tpu.memref_slice %arg2[%dma_wait3A_239, %dma_wait3A_240] : memref<100000x2048xf32, #tpu.memory_space<hbm>> -> memref<100000x2048xf32, #tpu.memory_space<hbm>>
        tpu.wait_indirect_dma semaphore(%arg18 : memref<!tpu.dma_semaphore, #tpu.memory_space<semaphore_mem>>) src(%dma_wait3A_241 : memref<100000x2048xf32, #tpu.memory_space<hbm>>) dst(%arg11 : memref<8x2048xf32, #tpu.memory_space<vmem>>)
        %add3A_242 = arith.constant 5 : i32
        %add3A_243 = arith.addi %add3A_75, %add3A_242 : i32
        %mul3A_244 = arith.constant 8 : i32
        %mul3A_245 = arith.muli %add3A_243, %mul3A_244 : i32
        %add3A_246 = arith.addi %mul3A_32, %mul3A_245 : i32
        %dma_start3A_247 = arith.constant 0 : i32
        %dma_start3A_248 = tpu.memref_slice %arg4[%select_n3A, %add3A_246, %dma_start3A_247] : memref<4x4096x2048xf32, #tpu.memory_space<hbm>> -> memref<1x8x2048xf32, #tpu.memory_space<hbm>>
        %dma_start3A_249 = tpu.memref_squeeze %dma_start3A_248 : memref<1x8x2048xf32, #tpu.memory_space<hbm>> -> memref<8x2048xf32, #tpu.memory_space<hbm>>
        %dma_start3A_250 = arith.constant 0 : i32
        %dma_start3A_251 = tpu.memref_slice %arg4[%select_n3A, %add3A_246, %dma_start3A_250] : memref<4x4096x2048xf32, #tpu.memory_space<hbm>> -> memref<1x8x2048xf32, #tpu.memory_space<hbm>>
        %dma_start3A_252 = tpu.memref_squeeze %dma_start3A_251 : memref<1x8x2048xf32, #tpu.memory_space<hbm>> -> memref<8x2048xf32, #tpu.memory_space<hbm>>
        tpu.enqueue_dma source(%arg11 : memref<8x2048xf32, #tpu.memory_space<vmem>>) target(%dma_start3A_252 : memref<8x2048xf32, #tpu.memory_space<hbm>>) target_semaphore(%arg25 : memref<!tpu.dma_semaphore, #tpu.memory_space<semaphore_mem>>)
      } else {
      }
      %add3A_116 = arith.constant 6 : i32
      %add3A_117 = arith.addi %add3A_75, %add3A_116 : i32
      %lt3A_118 = arith.constant 64 : i32
      %lt3A_119 = arith.cmpi slt, %add3A_117, %lt3A_118 : i32
      %convert_element_type3A_120 = arith.extui %lt3A_119 : i1 to i32
      %cond3A_121 = arith.constant 0 : i32
      %cond3A_122 = arith.cmpi ne, %convert_element_type3A_120, %cond3A_121 : i32
      scf.if %cond3A_122 {
        %add3A_235 = arith.constant 6 : i32
        %add3A_236 = arith.addi %add3A_75, %add3A_235 : i32
        %mul3A_237 = arith.constant 8 : i32
        %mul3A_238 = arith.muli %add3A_236, %mul3A_237 : i32
        %dma_wait3A = tpu.memref_slice %arg5[%mul3A_238] : memref<512xi32, #tpu.memory_space<vmem>> -> memref<8xi32, #tpu.memory_space<vmem>>
        %dma_wait3A_239 = arith.constant 0 : i32
        %dma_wait3A_240 = arith.constant 0 : i32
        %dma_wait3A_241 = tpu.memref_slice %arg2[%dma_wait3A_239, %dma_wait3A_240] : memref<100000x2048xf32, #tpu.memory_space<hbm>> -> memref<100000x2048xf32, #tpu.memory_space<hbm>>
        tpu.wait_indirect_dma semaphore(%arg19 : memref<!tpu.dma_semaphore, #tpu.memory_space<semaphore_mem>>) src(%dma_wait3A_241 : memref<100000x2048xf32, #tpu.memory_space<hbm>>) dst(%arg12 : memref<8x2048xf32, #tpu.memory_space<vmem>>)
        %add3A_242 = arith.constant 6 : i32
        %add3A_243 = arith.addi %add3A_75, %add3A_242 : i32
        %mul3A_244 = arith.constant 8 : i32
        %mul3A_245 = arith.muli %add3A_243, %mul3A_244 : i32
        %add3A_246 = arith.addi %mul3A_32, %mul3A_245 : i32
        %dma_start3A_247 = arith.constant 0 : i32
        %dma_start3A_248 = tpu.memref_slice %arg4[%select_n3A, %add3A_246, %dma_start3A_247] : memref<4x4096x2048xf32, #tpu.memory_space<hbm>> -> memref<1x8x2048xf32, #tpu.memory_space<hbm>>
        %dma_start3A_249 = tpu.memref_squeeze %dma_start3A_248 : memref<1x8x2048xf32, #tpu.memory_space<hbm>> -> memref<8x2048xf32, #tpu.memory_space<hbm>>
        %dma_start3A_250 = arith.constant 0 : i32
        %dma_start3A_251 = tpu.memref_slice %arg4[%select_n3A, %add3A_246, %dma_start3A_250] : memref<4x4096x2048xf32, #tpu.memory_space<hbm>> -> memref<1x8x2048xf32, #tpu.memory_space<hbm>>
        %dma_start3A_252 = tpu.memref_squeeze %dma_start3A_251 : memref<1x8x2048xf32, #tpu.memory_space<hbm>> -> memref<8x2048xf32, #tpu.memory_space<hbm>>
        tpu.enqueue_dma source(%arg12 : memref<8x2048xf32, #tpu.memory_space<vmem>>) target(%dma_start3A_252 : memref<8x2048xf32, #tpu.memory_space<hbm>>) target_semaphore(%arg26 : memref<!tpu.dma_semaphore, #tpu.memory_space<semaphore_mem>>)
      } else {
      }
      %add3A_123 = arith.constant 0 : i32
      %add3A_124 = arith.addi %add3A_75, %add3A_123 : i32
      %lt3A_125 = arith.constant 64 : i32
      %lt3A_126 = arith.cmpi slt, %add3A_124, %lt3A_125 : i32
      %convert_element_type3A_127 = arith.extui %lt3A_126 : i1 to i32
      %cond3A_128 = arith.constant 0 : i32
      %cond3A_129 = arith.cmpi ne, %convert_element_type3A_127, %cond3A_128 : i32
      scf.if %cond3A_129 {
        %add3A_235 = arith.constant 0 : i32
        %add3A_236 = arith.addi %add3A_75, %add3A_235 : i32
        %mul3A_237 = arith.constant 8 : i32
        %mul3A_238 = arith.muli %add3A_236, %mul3A_237 : i32
        %add3A_239 = arith.addi %mul3A_32, %mul3A_238 : i32
        %dma_wait3A = arith.constant 0 : i32
        %dma_wait3A_240 = tpu.memref_slice %arg4[%select_n3A, %add3A_239, %dma_wait3A] : memref<4x4096x2048xf32, #tpu.memory_space<hbm>> -> memref<1x8x2048xf32, #tpu.memory_space<hbm>>
        %dma_wait3A_241 = tpu.memref_squeeze %dma_wait3A_240 : memref<1x8x2048xf32, #tpu.memory_space<hbm>> -> memref<8x2048xf32, #tpu.memory_space<hbm>>
        %dma_wait3A_242 = arith.constant 0 : i32
        %dma_wait3A_243 = tpu.memref_slice %arg4[%select_n3A, %add3A_239, %dma_wait3A_242] : memref<4x4096x2048xf32, #tpu.memory_space<hbm>> -> memref<1x8x2048xf32, #tpu.memory_space<hbm>>
        %dma_wait3A_244 = tpu.memref_squeeze %dma_wait3A_243 : memref<1x8x2048xf32, #tpu.memory_space<hbm>> -> memref<8x2048xf32, #tpu.memory_space<hbm>>
        tpu.wait_dma2 semaphore(%arg20 : memref<!tpu.dma_semaphore, #tpu.memory_space<semaphore_mem>>) src(%arg6 : memref<8x2048xf32, #tpu.memory_space<vmem>>) dst(%dma_wait3A_244 : memref<8x2048xf32, #tpu.memory_space<hbm>>)
      } else {
      }
      %add3A_130 = arith.constant 7 : i32
      %add3A_131 = arith.addi %add3A_75, %add3A_130 : i32
      %add3A_132 = arith.constant 0 : i32
      %add3A_133 = arith.addi %add3A_131, %add3A_132 : i32
      %lt3A_134 = arith.constant 64 : i32
      %lt3A_135 = arith.cmpi slt, %add3A_133, %lt3A_134 : i32
      %convert_element_type3A_136 = arith.extui %lt3A_135 : i1 to i32
      %cond3A_137 = arith.constant 0 : i32
      %cond3A_138 = arith.cmpi ne, %convert_element_type3A_136, %cond3A_137 : i32
      scf.if %cond3A_138 {
        %add3A_235 = arith.constant 7 : i32
        %add3A_236 = arith.addi %add3A_75, %add3A_235 : i32
        %add3A_237 = arith.constant 0 : i32
        %add3A_238 = arith.addi %add3A_236, %add3A_237 : i32
        %mul3A_239 = arith.constant 8 : i32
        %mul3A_240 = arith.muli %add3A_238, %mul3A_239 : i32
        %dma_start3A_241 = tpu.memref_slice %arg5[%mul3A_240] : memref<512xi32, #tpu.memory_space<vmem>> -> memref<8xi32, #tpu.memory_space<vmem>>
        %dma_start3A_242 = arith.constant 0 : i32
        %dma_start3A_243 = arith.constant 0 : i32
        %dma_start3A_244 = tpu.memref_slice %arg2[%dma_start3A_242, %dma_start3A_243] : memref<100000x2048xf32, #tpu.memory_space<hbm>> -> memref<100000x2048xf32, #tpu.memory_space<hbm>>
        tpu.enqueue_indirect_dma source(%dma_start3A_244 : memref<100000x2048xf32, #tpu.memory_space<hbm>>) target(%arg6 : memref<8x2048xf32, #tpu.memory_space<vmem>>) offsets(%dma_start3A_241 : memref<8xi32, #tpu.memory_space<vmem>>) semaphore(%arg13 : memref<!tpu.dma_semaphore, #tpu.memory_space<semaphore_mem>>)
      } else {
      }
      %add3A_139 = arith.constant 1 : i32
      %add3A_140 = arith.addi %add3A_75, %add3A_139 : i32
      %lt3A_141 = arith.constant 64 : i32
      %lt3A_142 = arith.cmpi slt, %add3A_140, %lt3A_141 : i32
      %convert_element_type3A_143 = arith.extui %lt3A_142 : i1 to i32
      %cond3A_144 = arith.constant 0 : i32
      %cond3A_145 = arith.cmpi ne, %convert_element_type3A_143, %cond3A_144 : i32
      scf.if %cond3A_145 {
        %add3A_235 = arith.constant 1 : i32
        %add3A_236 = arith.addi %add3A_75, %add3A_235 : i32
        %mul3A_237 = arith.constant 8 : i32
        %mul3A_238 = arith.muli %add3A_236, %mul3A_237 : i32
        %add3A_239 = arith.addi %mul3A_32, %mul3A_238 : i32
        %dma_wait3A = arith.constant 0 : i32
        %dma_wait3A_240 = tpu.memref_slice %arg4[%select_n3A, %add3A_239, %dma_wait3A] : memref<4x4096x2048xf32, #tpu.memory_space<hbm>> -> memref<1x8x2048xf32, #tpu.memory_space<hbm>>
        %dma_wait3A_241 = tpu.memref_squeeze %dma_wait3A_240 : memref<1x8x2048xf32, #tpu.memory_space<hbm>> -> memref<8x2048xf32, #tpu.memory_space<hbm>>
        %dma_wait3A_242 = arith.constant 0 : i32
        %dma_wait3A_243 = tpu.memref_slice %arg4[%select_n3A, %add3A_239, %dma_wait3A_242] : memref<4x4096x2048xf32, #tpu.memory_space<hbm>> -> memref<1x8x2048xf32, #tpu.memory_space<hbm>>
        %dma_wait3A_244 = tpu.memref_squeeze %dma_wait3A_243 : memref<1x8x2048xf32, #tpu.memory_space<hbm>> -> memref<8x2048xf32, #tpu.memory_space<hbm>>
        tpu.wait_dma2 semaphore(%arg21 : memref<!tpu.dma_semaphore, #tpu.memory_space<semaphore_mem>>) src(%arg7 : memref<8x2048xf32, #tpu.memory_space<vmem>>) dst(%dma_wait3A_244 : memref<8x2048xf32, #tpu.memory_space<hbm>>)
      } else {
      }
      %add3A_146 = arith.constant 7 : i32
      %add3A_147 = arith.addi %add3A_75, %add3A_146 : i32
      %add3A_148 = arith.constant 1 : i32
      %add3A_149 = arith.addi %add3A_147, %add3A_148 : i32
      %lt3A_150 = arith.constant 64 : i32
      %lt3A_151 = arith.cmpi slt, %add3A_149, %lt3A_150 : i32
      %convert_element_type3A_152 = arith.extui %lt3A_151 : i1 to i32
      %cond3A_153 = arith.constant 0 : i32
      %cond3A_154 = arith.cmpi ne, %convert_element_type3A_152, %cond3A_153 : i32
      scf.if %cond3A_154 {
        %add3A_235 = arith.constant 7 : i32
        %add3A_236 = arith.addi %add3A_75, %add3A_235 : i32
        %add3A_237 = arith.constant 1 : i32
        %add3A_238 = arith.addi %add3A_236, %add3A_237 : i32
        %mul3A_239 = arith.constant 8 : i32
        %mul3A_240 = arith.muli %add3A_238, %mul3A_239 : i32
        %dma_start3A_241 = tpu.memref_slice %arg5[%mul3A_240] : memref<512xi32, #tpu.memory_space<vmem>> -> memref<8xi32, #tpu.memory_space<vmem>>
        %dma_start3A_242 = arith.constant 0 : i32
        %dma_start3A_243 = arith.constant 0 : i32
        %dma_start3A_244 = tpu.memref_slice %arg2[%dma_start3A_242, %dma_start3A_243] : memref<100000x2048xf32, #tpu.memory_space<hbm>> -> memref<100000x2048xf32, #tpu.memory_space<hbm>>
        tpu.enqueue_indirect_dma source(%dma_start3A_244 : memref<100000x2048xf32, #tpu.memory_space<hbm>>) target(%arg7 : memref<8x2048xf32, #tpu.memory_space<vmem>>) offsets(%dma_start3A_241 : memref<8xi32, #tpu.memory_space<vmem>>) semaphore(%arg14 : memref<!tpu.dma_semaphore, #tpu.memory_space<semaphore_mem>>)
      } else {
      }
      %add3A_155 = arith.constant 2 : i32
      %add3A_156 = arith.addi %add3A_75, %add3A_155 : i32
      %lt3A_157 = arith.constant 64 : i32
      %lt3A_158 = arith.cmpi slt, %add3A_156, %lt3A_157 : i32
      %convert_element_type3A_159 = arith.extui %lt3A_158 : i1 to i32
      %cond3A_160 = arith.constant 0 : i32
      %cond3A_161 = arith.cmpi ne, %convert_element_type3A_159, %cond3A_160 : i32
      scf.if %cond3A_161 {
        %add3A_235 = arith.constant 2 : i32
        %add3A_236 = arith.addi %add3A_75, %add3A_235 : i32
        %mul3A_237 = arith.constant 8 : i32
        %mul3A_238 = arith.muli %add3A_236, %mul3A_237 : i32
        %add3A_239 = arith.addi %mul3A_32, %mul3A_238 : i32
        %dma_wait3A = arith.constant 0 : i32
        %dma_wait3A_240 = tpu.memref_slice %arg4[%select_n3A, %add3A_239, %dma_wait3A] : memref<4x4096x2048xf32, #tpu.memory_space<hbm>> -> memref<1x8x2048xf32, #tpu.memory_space<hbm>>
        %dma_wait3A_241 = tpu.memref_squeeze %dma_wait3A_240 : memref<1x8x2048xf32, #tpu.memory_space<hbm>> -> memref<8x2048xf32, #tpu.memory_space<hbm>>
        %dma_wait3A_242 = arith.constant 0 : i32
        %dma_wait3A_243 = tpu.memref_slice %arg4[%select_n3A, %add3A_239, %dma_wait3A_242] : memref<4x4096x2048xf32, #tpu.memory_space<hbm>> -> memref<1x8x2048xf32, #tpu.memory_space<hbm>>
        %dma_wait3A_244 = tpu.memref_squeeze %dma_wait3A_243 : memref<1x8x2048xf32, #tpu.memory_space<hbm>> -> memref<8x2048xf32, #tpu.memory_space<hbm>>
        tpu.wait_dma2 semaphore(%arg22 : memref<!tpu.dma_semaphore, #tpu.memory_space<semaphore_mem>>) src(%arg8 : memref<8x2048xf32, #tpu.memory_space<vmem>>) dst(%dma_wait3A_244 : memref<8x2048xf32, #tpu.memory_space<hbm>>)
      } else {
      }
      %add3A_162 = arith.constant 7 : i32
      %add3A_163 = arith.addi %add3A_75, %add3A_162 : i32
      %add3A_164 = arith.constant 2 : i32
      %add3A_165 = arith.addi %add3A_163, %add3A_164 : i32
      %lt3A_166 = arith.constant 64 : i32
      %lt3A_167 = arith.cmpi slt, %add3A_165, %lt3A_166 : i32
      %convert_element_type3A_168 = arith.extui %lt3A_167 : i1 to i32
      %cond3A_169 = arith.constant 0 : i32
      %cond3A_170 = arith.cmpi ne, %convert_element_type3A_168, %cond3A_169 : i32
      scf.if %cond3A_170 {
        %add3A_235 = arith.constant 7 : i32
        %add3A_236 = arith.addi %add3A_75, %add3A_235 : i32
        %add3A_237 = arith.constant 2 : i32
        %add3A_238 = arith.addi %add3A_236, %add3A_237 : i32
        %mul3A_239 = arith.constant 8 : i32
        %mul3A_240 = arith.muli %add3A_238, %mul3A_239 : i32
        %dma_start3A_241 = tpu.memref_slice %arg5[%mul3A_240] : memref<512xi32, #tpu.memory_space<vmem>> -> memref<8xi32, #tpu.memory_space<vmem>>
        %dma_start3A_242 = arith.constant 0 : i32
        %dma_start3A_243 = arith.constant 0 : i32
        %dma_start3A_244 = tpu.memref_slice %arg2[%dma_start3A_242, %dma_start3A_243] : memref<100000x2048xf32, #tpu.memory_space<hbm>> -> memref<100000x2048xf32, #tpu.memory_space<hbm>>
        tpu.enqueue_indirect_dma source(%dma_start3A_244 : memref<100000x2048xf32, #tpu.memory_space<hbm>>) target(%arg8 : memref<8x2048xf32, #tpu.memory_space<vmem>>) offsets(%dma_start3A_241 : memref<8xi32, #tpu.memory_space<vmem>>) semaphore(%arg15 : memref<!tpu.dma_semaphore, #tpu.memory_space<semaphore_mem>>)
      } else {
      }
      %add3A_171 = arith.constant 3 : i32
      %add3A_172 = arith.addi %add3A_75, %add3A_171 : i32
      %lt3A_173 = arith.constant 64 : i32
      %lt3A_174 = arith.cmpi slt, %add3A_172, %lt3A_173 : i32
      %convert_element_type3A_175 = arith.extui %lt3A_174 : i1 to i32
      %cond3A_176 = arith.constant 0 : i32
      %cond3A_177 = arith.cmpi ne, %convert_element_type3A_175, %cond3A_176 : i32
      scf.if %cond3A_177 {
        %add3A_235 = arith.constant 3 : i32
        %add3A_236 = arith.addi %add3A_75, %add3A_235 : i32
        %mul3A_237 = arith.constant 8 : i32
        %mul3A_238 = arith.muli %add3A_236, %mul3A_237 : i32
        %add3A_239 = arith.addi %mul3A_32, %mul3A_238 : i32
        %dma_wait3A = arith.constant 0 : i32
        %dma_wait3A_240 = tpu.memref_slice %arg4[%select_n3A, %add3A_239, %dma_wait3A] : memref<4x4096x2048xf32, #tpu.memory_space<hbm>> -> memref<1x8x2048xf32, #tpu.memory_space<hbm>>
        %dma_wait3A_241 = tpu.memref_squeeze %dma_wait3A_240 : memref<1x8x2048xf32, #tpu.memory_space<hbm>> -> memref<8x2048xf32, #tpu.memory_space<hbm>>
        %dma_wait3A_242 = arith.constant 0 : i32
        %dma_wait3A_243 = tpu.memref_slice %arg4[%select_n3A, %add3A_239, %dma_wait3A_242] : memref<4x4096x2048xf32, #tpu.memory_space<hbm>> -> memref<1x8x2048xf32, #tpu.memory_space<hbm>>
        %dma_wait3A_244 = tpu.memref_squeeze %dma_wait3A_243 : memref<1x8x2048xf32, #tpu.memory_space<hbm>> -> memref<8x2048xf32, #tpu.memory_space<hbm>>
        tpu.wait_dma2 semaphore(%arg23 : memref<!tpu.dma_semaphore, #tpu.memory_space<semaphore_mem>>) src(%arg9 : memref<8x2048xf32, #tpu.memory_space<vmem>>) dst(%dma_wait3A_244 : memref<8x2048xf32, #tpu.memory_space<hbm>>)
      } else {
      }
      %add3A_178 = arith.constant 7 : i32
      %add3A_179 = arith.addi %add3A_75, %add3A_178 : i32
      %add3A_180 = arith.constant 3 : i32
      %add3A_181 = arith.addi %add3A_179, %add3A_180 : i32
      %lt3A_182 = arith.constant 64 : i32
      %lt3A_183 = arith.cmpi slt, %add3A_181, %lt3A_182 : i32
      %convert_element_type3A_184 = arith.extui %lt3A_183 : i1 to i32
      %cond3A_185 = arith.constant 0 : i32
      %cond3A_186 = arith.cmpi ne, %convert_element_type3A_184, %cond3A_185 : i32
      scf.if %cond3A_186 {
        %add3A_235 = arith.constant 7 : i32
        %add3A_236 = arith.addi %add3A_75, %add3A_235 : i32
        %add3A_237 = arith.constant 3 : i32
        %add3A_238 = arith.addi %add3A_236, %add3A_237 : i32
        %mul3A_239 = arith.constant 8 : i32
        %mul3A_240 = arith.muli %add3A_238, %mul3A_239 : i32
        %dma_start3A_241 = tpu.memref_slice %arg5[%mul3A_240] : memref<512xi32, #tpu.memory_space<vmem>> -> memref<8xi32, #tpu.memory_space<vmem>>
        %dma_start3A_242 = arith.constant 0 : i32
        %dma_start3A_243 = arith.constant 0 : i32
        %dma_start3A_244 = tpu.memref_slice %arg2[%dma_start3A_242, %dma_start3A_243] : memref<100000x2048xf32, #tpu.memory_space<hbm>> -> memref<100000x2048xf32, #tpu.memory_space<hbm>>
        tpu.enqueue_indirect_dma source(%dma_start3A_244 : memref<100000x2048xf32, #tpu.memory_space<hbm>>) target(%arg9 : memref<8x2048xf32, #tpu.memory_space<vmem>>) offsets(%dma_start3A_241 : memref<8xi32, #tpu.memory_space<vmem>>) semaphore(%arg16 : memref<!tpu.dma_semaphore, #tpu.memory_space<semaphore_mem>>)
      } else {
      }
      %add3A_187 = arith.constant 4 : i32
      %add3A_188 = arith.addi %add3A_75, %add3A_187 : i32
      %lt3A_189 = arith.constant 64 : i32
      %lt3A_190 = arith.cmpi slt, %add3A_188, %lt3A_189 : i32
      %convert_element_type3A_191 = arith.extui %lt3A_190 : i1 to i32
      %cond3A_192 = arith.constant 0 : i32
      %cond3A_193 = arith.cmpi ne, %convert_element_type3A_191, %cond3A_192 : i32
      scf.if %cond3A_193 {
        %add3A_235 = arith.constant 4 : i32
        %add3A_236 = arith.addi %add3A_75, %add3A_235 : i32
        %mul3A_237 = arith.constant 8 : i32
        %mul3A_238 = arith.muli %add3A_236, %mul3A_237 : i32
        %add3A_239 = arith.addi %mul3A_32, %mul3A_238 : i32
        %dma_wait3A = arith.constant 0 : i32
        %dma_wait3A_240 = tpu.memref_slice %arg4[%select_n3A, %add3A_239, %dma_wait3A] : memref<4x4096x2048xf32, #tpu.memory_space<hbm>> -> memref<1x8x2048xf32, #tpu.memory_space<hbm>>
        %dma_wait3A_241 = tpu.memref_squeeze %dma_wait3A_240 : memref<1x8x2048xf32, #tpu.memory_space<hbm>> -> memref<8x2048xf32, #tpu.memory_space<hbm>>
        %dma_wait3A_242 = arith.constant 0 : i32
        %dma_wait3A_243 = tpu.memref_slice %arg4[%select_n3A, %add3A_239, %dma_wait3A_242] : memref<4x4096x2048xf32, #tpu.memory_space<hbm>> -> memref<1x8x2048xf32, #tpu.memory_space<hbm>>
        %dma_wait3A_244 = tpu.memref_squeeze %dma_wait3A_243 : memref<1x8x2048xf32, #tpu.memory_space<hbm>> -> memref<8x2048xf32, #tpu.memory_space<hbm>>
        tpu.wait_dma2 semaphore(%arg24 : memref<!tpu.dma_semaphore, #tpu.memory_space<semaphore_mem>>) src(%arg10 : memref<8x2048xf32, #tpu.memory_space<vmem>>) dst(%dma_wait3A_244 : memref<8x2048xf32, #tpu.memory_space<hbm>>)
      } else {
      }
      %add3A_194 = arith.constant 7 : i32
      %add3A_195 = arith.addi %add3A_75, %add3A_194 : i32
      %add3A_196 = arith.constant 4 : i32
      %add3A_197 = arith.addi %add3A_195, %add3A_196 : i32
      %lt3A_198 = arith.constant 64 : i32
      %lt3A_199 = arith.cmpi slt, %add3A_197, %lt3A_198 : i32
      %convert_element_type3A_200 = arith.extui %lt3A_199 : i1 to i32
      %cond3A_201 = arith.constant 0 : i32
      %cond3A_202 = arith.cmpi ne, %convert_element_type3A_200, %cond3A_201 : i32
      scf.if %cond3A_202 {
        %add3A_235 = arith.constant 7 : i32
        %add3A_236 = arith.addi %add3A_75, %add3A_235 : i32
        %add3A_237 = arith.constant 4 : i32
        %add3A_238 = arith.addi %add3A_236, %add3A_237 : i32
        %mul3A_239 = arith.constant 8 : i32
        %mul3A_240 = arith.muli %add3A_238, %mul3A_239 : i32
        %dma_start3A_241 = tpu.memref_slice %arg5[%mul3A_240] : memref<512xi32, #tpu.memory_space<vmem>> -> memref<8xi32, #tpu.memory_space<vmem>>
        %dma_start3A_242 = arith.constant 0 : i32
        %dma_start3A_243 = arith.constant 0 : i32
        %dma_start3A_244 = tpu.memref_slice %arg2[%dma_start3A_242, %dma_start3A_243] : memref<100000x2048xf32, #tpu.memory_space<hbm>> -> memref<100000x2048xf32, #tpu.memory_space<hbm>>
        tpu.enqueue_indirect_dma source(%dma_start3A_244 : memref<100000x2048xf32, #tpu.memory_space<hbm>>) target(%arg10 : memref<8x2048xf32, #tpu.memory_space<vmem>>) offsets(%dma_start3A_241 : memref<8xi32, #tpu.memory_space<vmem>>) semaphore(%arg17 : memref<!tpu.dma_semaphore, #tpu.memory_space<semaphore_mem>>)
      } else {
      }
      %add3A_203 = arith.constant 5 : i32
      %add3A_204 = arith.addi %add3A_75, %add3A_203 : i32
      %lt3A_205 = arith.constant 64 : i32
      %lt3A_206 = arith.cmpi slt, %add3A_204, %lt3A_205 : i32
      %convert_element_type3A_207 = arith.extui %lt3A_206 : i1 to i32
      %cond3A_208 = arith.constant 0 : i32
      %cond3A_209 = arith.cmpi ne, %convert_element_type3A_207, %cond3A_208 : i32
      scf.if %cond3A_209 {
        %add3A_235 = arith.constant 5 : i32
        %add3A_236 = arith.addi %add3A_75, %add3A_235 : i32
        %mul3A_237 = arith.constant 8 : i32
        %mul3A_238 = arith.muli %add3A_236, %mul3A_237 : i32
        %add3A_239 = arith.addi %mul3A_32, %mul3A_238 : i32
        %dma_wait3A = arith.constant 0 : i32
        %dma_wait3A_240 = tpu.memref_slice %arg4[%select_n3A, %add3A_239, %dma_wait3A] : memref<4x4096x2048xf32, #tpu.memory_space<hbm>> -> memref<1x8x2048xf32, #tpu.memory_space<hbm>>
        %dma_wait3A_241 = tpu.memref_squeeze %dma_wait3A_240 : memref<1x8x2048xf32, #tpu.memory_space<hbm>> -> memref<8x2048xf32, #tpu.memory_space<hbm>>
        %dma_wait3A_242 = arith.constant 0 : i32
        %dma_wait3A_243 = tpu.memref_slice %arg4[%select_n3A, %add3A_239, %dma_wait3A_242] : memref<4x4096x2048xf32, #tpu.memory_space<hbm>> -> memref<1x8x2048xf32, #tpu.memory_space<hbm>>
        %dma_wait3A_244 = tpu.memref_squeeze %dma_wait3A_243 : memref<1x8x2048xf32, #tpu.memory_space<hbm>> -> memref<8x2048xf32, #tpu.memory_space<hbm>>
        tpu.wait_dma2 semaphore(%arg25 : memref<!tpu.dma_semaphore, #tpu.memory_space<semaphore_mem>>) src(%arg11 : memref<8x2048xf32, #tpu.memory_space<vmem>>) dst(%dma_wait3A_244 : memref<8x2048xf32, #tpu.memory_space<hbm>>)
      } else {
      }
      %add3A_210 = arith.constant 7 : i32
      %add3A_211 = arith.addi %add3A_75, %add3A_210 : i32
      %add3A_212 = arith.constant 5 : i32
      %add3A_213 = arith.addi %add3A_211, %add3A_212 : i32
      %lt3A_214 = arith.constant 64 : i32
      %lt3A_215 = arith.cmpi slt, %add3A_213, %lt3A_214 : i32
      %convert_element_type3A_216 = arith.extui %lt3A_215 : i1 to i32
      %cond3A_217 = arith.constant 0 : i32
      %cond3A_218 = arith.cmpi ne, %convert_element_type3A_216, %cond3A_217 : i32
      scf.if %cond3A_218 {
        %add3A_235 = arith.constant 7 : i32
        %add3A_236 = arith.addi %add3A_75, %add3A_235 : i32
        %add3A_237 = arith.constant 5 : i32
        %add3A_238 = arith.addi %add3A_236, %add3A_237 : i32
        %mul3A_239 = arith.constant 8 : i32
        %mul3A_240 = arith.muli %add3A_238, %mul3A_239 : i32
        %dma_start3A_241 = tpu.memref_slice %arg5[%mul3A_240] : memref<512xi32, #tpu.memory_space<vmem>> -> memref<8xi32, #tpu.memory_space<vmem>>
        %dma_start3A_242 = arith.constant 0 : i32
        %dma_start3A_243 = arith.constant 0 : i32
        %dma_start3A_244 = tpu.memref_slice %arg2[%dma_start3A_242, %dma_start3A_243] : memref<100000x2048xf32, #tpu.memory_space<hbm>> -> memref<100000x2048xf32, #tpu.memory_space<hbm>>
        tpu.enqueue_indirect_dma source(%dma_start3A_244 : memref<100000x2048xf32, #tpu.memory_space<hbm>>) target(%arg11 : memref<8x2048xf32, #tpu.memory_space<vmem>>) offsets(%dma_start3A_241 : memref<8xi32, #tpu.memory_space<vmem>>) semaphore(%arg18 : memref<!tpu.dma_semaphore, #tpu.memory_space<semaphore_mem>>)
      } else {
      }
      %add3A_219 = arith.constant 6 : i32
      %add3A_220 = arith.addi %add3A_75, %add3A_219 : i32
      %lt3A_221 = arith.constant 64 : i32
      %lt3A_222 = arith.cmpi slt, %add3A_220, %lt3A_221 : i32
      %convert_element_type3A_223 = arith.extui %lt3A_222 : i1 to i32
      %cond3A_224 = arith.constant 0 : i32
      %cond3A_225 = arith.cmpi ne, %convert_element_type3A_223, %cond3A_224 : i32
      scf.if %cond3A_225 {
        %add3A_235 = arith.constant 6 : i32
        %add3A_236 = arith.addi %add3A_75, %add3A_235 : i32
        %mul3A_237 = arith.constant 8 : i32
        %mul3A_238 = arith.muli %add3A_236, %mul3A_237 : i32
        %add3A_239 = arith.addi %mul3A_32, %mul3A_238 : i32
        %dma_wait3A = arith.constant 0 : i32
        %dma_wait3A_240 = tpu.memref_slice %arg4[%select_n3A, %add3A_239, %dma_wait3A] : memref<4x4096x2048xf32, #tpu.memory_space<hbm>> -> memref<1x8x2048xf32, #tpu.memory_space<hbm>>
        %dma_wait3A_241 = tpu.memref_squeeze %dma_wait3A_240 : memref<1x8x2048xf32, #tpu.memory_space<hbm>> -> memref<8x2048xf32, #tpu.memory_space<hbm>>
        %dma_wait3A_242 = arith.constant 0 : i32
        %dma_wait3A_243 = tpu.memref_slice %arg4[%select_n3A, %add3A_239, %dma_wait3A_242] : memref<4x4096x2048xf32, #tpu.memory_space<hbm>> -> memref<1x8x2048xf32, #tpu.memory_space<hbm>>
        %dma_wait3A_244 = tpu.memref_squeeze %dma_wait3A_243 : memref<1x8x2048xf32, #tpu.memory_space<hbm>> -> memref<8x2048xf32, #tpu.memory_space<hbm>>
        tpu.wait_dma2 semaphore(%arg26 : memref<!tpu.dma_semaphore, #tpu.memory_space<semaphore_mem>>) src(%arg12 : memref<8x2048xf32, #tpu.memory_space<vmem>>) dst(%dma_wait3A_244 : memref<8x2048xf32, #tpu.memory_space<hbm>>)
      } else {
      }
      %add3A_226 = arith.constant 7 : i32
      %add3A_227 = arith.addi %add3A_75, %add3A_226 : i32
      %add3A_228 = arith.constant 6 : i32
      %add3A_229 = arith.addi %add3A_227, %add3A_228 : i32
      %lt3A_230 = arith.constant 64 : i32
      %lt3A_231 = arith.cmpi slt, %add3A_229, %lt3A_230 : i32
      %convert_element_type3A_232 = arith.extui %lt3A_231 : i1 to i32
      %cond3A_233 = arith.constant 0 : i32
      %cond3A_234 = arith.cmpi ne, %convert_element_type3A_232, %cond3A_233 : i32
      scf.if %cond3A_234 {
        %add3A_235 = arith.constant 7 : i32
        %add3A_236 = arith.addi %add3A_75, %add3A_235 : i32
        %add3A_237 = arith.constant 6 : i32
        %add3A_238 = arith.addi %add3A_236, %add3A_237 : i32
        %mul3A_239 = arith.constant 8 : i32
        %mul3A_240 = arith.muli %add3A_238, %mul3A_239 : i32
        %dma_start3A_241 = tpu.memref_slice %arg5[%mul3A_240] : memref<512xi32, #tpu.memory_space<vmem>> -> memref<8xi32, #tpu.memory_space<vmem>>
        %dma_start3A_242 = arith.constant 0 : i32
        %dma_start3A_243 = arith.constant 0 : i32
        %dma_start3A_244 = tpu.memref_slice %arg2[%dma_start3A_242, %dma_start3A_243] : memref<100000x2048xf32, #tpu.memory_space<hbm>> -> memref<100000x2048xf32, #tpu.memory_space<hbm>>
        tpu.enqueue_indirect_dma source(%dma_start3A_244 : memref<100000x2048xf32, #tpu.memory_space<hbm>>) target(%arg12 : memref<8x2048xf32, #tpu.memory_space<vmem>>) offsets(%dma_start3A_241 : memref<8xi32, #tpu.memory_space<vmem>>) semaphore(%arg19 : memref<!tpu.dma_semaphore, #tpu.memory_space<semaphore_mem>>)
      } else {
      }
    }
    %scan3A_70 = arith.constant 10 : i32
    return
  }
}

</mosaic_0001>

<sc_bundles>
// kernel: kernel.3.cloned.1.call-start
scs
__scs_entry_jumppad:
0x0: {  	(pc) =	sbr.rel $0x88, $3  }
0x1: {  	(tag) =	ssettag $0x0;
	lr =	simm.s32 $0x1  }
0x2: {  	[smem:$0x3F9F] =	sst lr;
	_ =	strace $0xD0000000  }
0x3: {  	_ = 	snop  }
0x4: {  	_ = 	snop  }
0x5: {  	_ = 	snop  }
0x6: {  	_ = 	snop  }
0x7: {  	_ = 	snop  }
__scs_overlays_trampoline_lowered:
0x8: {  	[smem:$0x3FAE] =	sst s0  }
0x9: {  	[smem:$0x3FAF] =	sst s1  }
0xa: {  	[smem:$0x3FB0] =	sst s2  }
0xb: {  	[smem:$0x3FB1] =	sst s3  }
0xc: {  	[smem:$0x3FB2] =	sst s4  }
0xd: {  	[smem:$0x3FB3] =	sst s5  }
0xe: {  	[smem:$0x3FB4] =	sst s6  }
0xf: {  	[smem:$0x3FB5] =	sst s7  }
0x10: {  	[smem:$0x3FB6] =	sst s8  }
0x11: {  	[smem:$0x3FB7] =	sst s9;
	s0 =	simm.s32 @!p0 $0x0  }
0x12: {  	s1 =	sld [smem:$0x3F9D];
	s0 =	simm.s32 @p0 $0x1  }
0x13: {  	[smem:$0x3FB8] =	sst s0;
	s0 =	simm.s32 @!p1 $0x0  }
0x14: {  	s2 =	sld [smem:$0x3F9C];
	s0 =	simm.s32 @p1 $0x1  }
0x15: {  	[smem:$0x3FB9] =	sst s0;
	s0 =	simm.s32 @!p2 $0x0  }
0x16: {  	s3 =	sld [smem:$0x3FDB];
	s0 =	simm.s32 @p2 $0x1  }
0x17: {  	s4 =	simm.s32 $0x1BF5;
	[smem:$0x3FBB] =	sst s0  }
0x18: {  	s0 =	sld [smem:$0x3F9E];
	_ =	swait.ge [sflag:s4], $0x0  }
0x19: {  	s7 =	sld [smem:$0x3F9F]  }
0x1a: {  	s8 =	sadd.s32 $0xFFFFE003, lr  }
0x1b: {  	s9 =	sadd.s32 $0xFFFFFEF7, lr;
	s5 =	simm.s32 $0xFFFFFFFF;
	p2 =	slt.u32 s8, $0xFFFFF086  }
0x1c: {  	p1 =	slt.u32 s9, $0xF7A;
	s5 =	simm.s32 @!p2 $0x0  }
0x1d: {  	s5 =	simm.s32 @p1 $0x1;
	p0 =	seq.s32 s7, s2  }
0x1e: {  	s7 =	smul.u32 @!p0 $0xF7A, s2;
	p2 =	seq.s32 @!p0 s5, $0x0  }
0x1f: {  	s9 =	smul.u32 $0xF7A, s1;
	s8 =	simm.s32 @!p0 $0x1BF5;
	p2 =	por !p2, p0  }
0x20: {  	[sflag:s8] =	ssyncset.s32 @!p0 $0xFFFFF086;
	s6 =	sadd.s32 @!p0 s3, s7;
	s7 =	simm.s32 @!p0 $0x108  }
0x21: {  	s3 =	sadd.s32 s3, s9;
	s6 =	sadd.s32 @!p0 $0x88, s6;
	s7 =	simm.s32 @p2 $0x1082  }
0x22: {  	[simem:s7], [sflag:s8] =	dma.local @!p0 [hbm:s6], $0xF7A  }
0x23: {  	s9 =	sor.u32 $0xD0000000, s2;
	s6 =	simm.s32 $0x108;
	_ =	swait.ge @!p0 [sflag:s8], $0x0  }
0x24: {  	s3 =	sadd.s32 $0x88, s3;
	s6 =	simm.s32 @!p1 $0x1082;
	[sflag:s4] =	ssyncset.s32 $0xFFFFF086  }
0x25: {  	[simem:s6], [sflag:s4] =	dma.local [hbm:s3], $0xF7A  }
0x26: {  	[smem:$0x3F9F] =	sst s1;
	(tag) =	ssettag s2;
	_ =	strace s9  }
0x27: {  	s1 =	sld [smem:$0x3FAF]  }
0x28: {  	s2 =	sld [smem:$0x3FB0]  }
0x29: {  	s4 =	sld [smem:$0x3FB2]  }
0x2a: {  	p0 =	seq.s32 s5, $0x0;
	s5 =	sld [smem:$0x3FB3]  }
0x2b: {  	s6 =	sld [smem:$0x3FB4]  }
0x2c: {  	s7 =	sld [smem:$0x3FB5]  }
0x2d: {  	s3 =	simm.s32 $0x108;
	s8 =	sld [smem:$0x3FB6]  }
0x2e: {  	s3 =	simm.s32 @!p0 $0x1082;
	s9 =	sld [smem:$0x3FB7]  }
0x2f: {  	lr =	sadd.s32 s0, s3;
	s0 =	sld [smem:$0x3FAE]  }
0x30: {  	s3 =	sld [smem:$0x3FB1]  }
0x31: {  	[smem:$0x3FBA] =	sst s10  }
0x32: {  	s10 =	sld [smem:$0x3FB8];
	_ =	sdelay $0x3  }
0x33: {  	p0 =	seq.s32 s10, $0x1;
	s10 =	sld [smem:$0x3FBA];
	_ =	sdelay $0x3  }
0x34: {  	[smem:$0x3FBA] =	sst s10  }
0x35: {  	s10 =	sld [smem:$0x3FB9];
	_ =	sdelay $0x3  }
0x36: {  	p1 =	seq.s32 s10, $0x1;
	s10 =	sld [smem:$0x3FBA];
	_ =	sdelay $0x3  }
0x37: {  	[smem:$0x3FBA] =	sst s10  }
0x38: {  	s10 =	sld [smem:$0x3FBB]  }
0x39: {  	_ = 	snop;
	(pc) =	sbr.ind lr, $3  }
0x3a: {  	_ = 	snop  }
0x3b: {  	_ = 	snop  }
0x3c: {  	p2 =	seq.s32 s10, $0x1;
	s10 =	sld [smem:$0x3FBA]  }
0x3d: {  	_ =	shalt  }
0x3e: {  	_ =	shalt  }
0x3f: {  	_ =	shalt  }
0x40: {  	_ =	shalt  }
0x41: {  	_ =	shalt  }
0x42: {  	_ =	shalt  }
0x43: {  	_ =	shalt  }
0x44: {  	_ =	shalt  }
0x45: {  	_ =	shalt  }
0x46: {  	_ =	shalt  }
0x47: {  	_ =	shalt  }
0x48: {  	_ =	shalt  }
0x49: {  	_ =	shalt  }
0x4a: {  	_ =	shalt  }
0x4b: {  	_ =	shalt  }
0x4c: {  	_ =	shalt  }
0x4d: {  	_ =	shalt  }
0x4e: {  	_ =	shalt  }
0x4f: {  	_ =	shalt  }
0x50: {  	_ =	shalt  }
0x51: {  	_ =	shalt  }
0x52: {  	_ =	shalt  }
0x53: {  	_ =	shalt  }
0x54: {  	_ =	shalt  }
0x55: {  	_ =	shalt  }
0x56: {  	_ =	shalt  }
0x57: {  	_ =	shalt  }
0x58: {  	_ =	shalt  }
0x59: {  	_ =	shalt  }
0x5a: {  	_ =	shalt  }
0x5b: {  	_ =	shalt  }
0x5c: {  	_ =	shalt  }
0x5d: {  	_ =	shalt  }
0x5e: {  	_ =	shalt  }
0x5f: {  	_ =	shalt  }
0x60: {  	_ =	shalt  }
0x61: {  	_ =	shalt  }
0x62: {  	_ =	shalt  }
0x63: {  	_ =	shalt  }
0x64: {  	_ =	shalt  }
0x65: {  	_ =	shalt  }
0x66: {  	_ =	shalt  }
0x67: {  	_ =	shalt  }
0x68: {  	_ =	shalt  }
0x69: {  	_ =	shalt  }
0x6a: {  	_ =	shalt  }
0x6b: {  	_ =	shalt  }
0x6c: {  	_ =	shalt  }
0x6d: {  	_ =	shalt  }
0x6e: {  	_ =	shalt  }
0x6f: {  	_ =	shalt  }
0x70: {  	_ =	shalt  }
0x71: {  	_ =	shalt  }
0x72: {  	_ =	shalt  }
0x73: {  	_ =	shalt  }
0x74: {  	_ =	shalt  }
0x75: {  	_ =	shalt  }
0x76: {  	_ =	shalt  }
0x77: {  	_ =	shalt  }
0x78: {  	_ =	shalt  }
0x79: {  	_ =	shalt  }
0x7a: {  	_ =	shalt  }
0x7b: {  	_ =	shalt  }
0x7c: {  	_ =	shalt  }
0x7d: {  	_ =	shalt  }
0x7e: {  	_ =	shalt  }
0x7f: {  	_ =	shalt  }
0x80: {  	_ =	shalt  }
0x81: {  	_ =	shalt  }
0x82: {  	_ =	shalt  }
0x83: {  	_ =	shalt  }
0x84: {  	_ =	shalt  }
0x85: {  	_ =	shalt  }
0x86: {  	_ =	shalt  }
0x87: {  	_ =	shalt  }
.Lfunc_end0:
.L_simem_size_0:
called_computation_lowered:
.L_overlay_start_0:
0x88: {  	s2 =	sld [smem:$0x3FD9]  }
0x89: {  	s3 =	sld [smem:$0x3FFE];
	_ =	sdelay $0x1  }
0x8a: {  	s1 =	srdreg.scid  }
0x8b: {  	s0 =	sand.u32 $0x1, s1  }
0x8c: {  	s18 =	sshll.u32 s0, $0xA;
	s2 =	sadd.s32 s3, s2  }
0x8d: {  	s2 =	sadd.s32 s2, s18  }
0x8e: {  	[smem:$0x3FC6] =	sst s2  }
0x8f: {  	_ = 	snop  }
0x90: {  	s2 =	sld [smem:$0x3FC9]  }
0x91: {  	s19 =	sld [smem:$0x3FC8]  }
0x92: {  	s4 =	sld [smem:$0x3FD0];
	(tm) =	ssettm $0x1  }
0x93: {  	s5 =	sld [smem:$0x3FFB];
	_ =	sdelay $0x3  }
0x94: {  	_ =	strace s5  }
0x95: {  	s5 =	sld [smem:$0x3FFC];
	_ =	sdelay $0x3  }
0x96: {  	_ =	strace s5  }
0x97: {  	s5 =	sld [smem:$0x3FFD];
	_ =	sdelay $0x3  }
0x98: {  	_ =	strace s5  }
0x99: {  	_ =	strace $0x8FFFFFFF  }
0x9a: {  	s20 =	sld [smem:$0x3FDB];
	_ =	sdelay $0x1  }
0x9b: {  	s6 =	simm.s32 $_scs_section_size  }
0x9c: {  	s7 =	simm.s32 $_size__tile_overlayer_lowered;
	s8 =	simm.s32 $_tile_overlayer_lowered  }
0x9d: {  	s23 =	simm.s32 $0x1BFF;
	s22 =	sshll.u32 s8, $0x1;
	s5 =	sadd.s32 s6, s20  }
0x9e: {  	s9 =	simm.s32 $0x0;
	s21 =	sshll.u32 s7, $0x1;
	s7 =	sadd.s32 s22, s5  }
0x9f: {  	[timem:s9], [sflag:s23] =	dma.local [hbm:s7], s21  }
0xa0: {  	_ =	swait.ge [sflag:s23], s21  }
0xa1: {  	s6 =	ssub.s32 $0x0, s21;
	[sflag:s23] =	ssyncset.done $0x0  }
0xa2: {  	[sflag:s23] =	ssyncadd.s32 s6;
	_ =	sdelay $0x1  }
0xa3: {  	s24 =	simm.s32 $0x1B8B  }
0xa4: {  	_ =	swait.ge [sflag:s24], $0x1  }
0xa5: {  	[sflag:s24] =	ssyncset.done $0x0  }
0xa6: {  	s25 =	simm.s32 $0x1B8E;
	[sflag:s24] =	ssyncadd.s32 $0xFFFFFFFF  }
0xa7: {  	s26 =	simm.s32 $execute0_lowered;
	[smem:$0x3FD2] =	sst s25  }
0xa8: {  	s6 =	sshll.u32 s26, $0x1;
	_ =	strace $0x80000046;
	[dreg:$0x1] =	wrdreg $0xFFFFFFFF  }
0xa9: {  	s28 =	simm.s32 $_size_execute0_lowered;
	s5 =	sadd.s32 s5, s6;
	[dreg:$0x0] =	wrdreg $0x0  }
0xaa: {  	s6 =	sshll.u32 s28, $0x1;
	[dreg:$0x2] =	wrdreg s5  }
0xab: {  	[dreg:$0x3] =	wrdreg s6  }
0xac: {  	[dreg:$0x4] =	wrdreg $0xC0  }
0xad: {  	_ =	task [dreg:s9], $0x5FFFF  }
0xae: {  	[dreg:$0x1] =	wrdreg $0xFFFFFFFF  }
0xaf: {  	[dreg:$0x0] =	wrdreg $0x60  }
0xb0: {  	[dreg:$0x2] =	wrdreg s19  }
0xb1: {  	[dreg:$0x3] =	wrdreg s2  }
0xb2: {  	[dreg:$0x4] =	wrdreg s4  }
0xb3: {  	[dreg:$0x5] =	wrdreg $0x9  }
0xb4: {  	_ =	task.clear_ibuf [dreg:s9], $0x6FFFF;
	_ =	strace $0x90000046  }
0xb5: {  	s29 =	simm.s32 $0x9;
	_ =	strace $0x80000048  }
0xb6: {  	_ =	swait.ge [sflag:s29], $0x1  }
0xb7: {  	[sflag:s29] =	ssyncadd.s32 $0xFFFFFFFF  }
0xb8: {  	_ =	strace $0x90000048  }
0xb9: {  	_ =	sfence  }
0xba: {  	s30 =	sld [smem:$0x0];
	_ =	sdelay $0x2  }
0xbb: {  	s31 =	sshll.u32 s1, $0xD;
	s1 =	sshrl.u32 s1, $0x2  }
0xbc: {  	s3 =	sand.u32 $0x4000, s31;
	s1 =	sadd.s32 s1, s30  }
0xbd: {  	s0 =	sor.u32 s3, s0;
	s1 =	sshll.u32 s1, $0x11  }
0xbe: {  	s0 =	sor.u32 s1, s0  }
0xbf: {  	s0 =	sadd.s32 $0x8F2B, s0  }
0xc0: {  	[sflag:s0] =	ssyncadd.remote.s32 $0x1  }
0xc1: {  	_ =	sfence.sel $0xFFFF  }
0xc2: {  	[dreg:$0x0] =	wrdreg $0xFFFFFFFF;
	(pc) =	sbr.abs _section_cstart, $3  }
0xc3: {  	[dreg:$0x1] =	wrdreg $0xFFFFFFFF  }
0xc4: {  	_ =	task.clear_ibuf [dreg:s9], $0x2FFFF;
	_ =	strace $0x9FFFFFFF  }
0xc5: {  	(tm) =	ssettm $0x7FFFFFFF  }
tec
execute0_lowered:
.L_overlay_start_1:
0x0: {  	(tag) =	ssettag $0x1  }
0x1: {  	s0 =	srdreg.scid  }
0x2: {  	s3 =	stileid.u32;
	s4 =	simm.s32 $0x1;
	s7 =	rddreg [dreg:$0x1]  }
0x3: {  	s19 =	simm.s32 $0x200;
	s11 =	simm.s32 $0x4200;
	s15 =	simm.s32 $0x8200  }
0x4: {  	s16 =	simm.s32 $0x14200;
	s17 =	simm.s32 $0x18200;
	s31 =	simm.s32 $0x8  }
0x5: {  	s20 =	simm.s32 $0x6;
	s21 =	simm.s32 $0x7;
	s22 =	simm.s32 $0x9  }
0x6: {  	s23 =	simm.s32 $0xA;
	s28 =	simm.s32 $0xE;
	s18 =	simm.s32 $0x4200  }
0x7: {  	s29 =	simm.s32 $0x14200;
	s0 =	sand.u32 $0x1, s0;
	s6 =	sand.u32 $0x7, s3  }
0x8: {  	s30 =	simm.s32 $0x18200;
	s1 =	sshll.u32 s0, $0x4;
	p1 =	sne.s32 s6, $0x0  }
0x9: {  	s8 =	sshll.u32 s6, $0xB;
	s2 =	sor.u32 s3, s1;
	s1 =	rddreg [dreg:$0x0]  }
0xa: {  	s0 =	ssub.s32 $0x2, s0;
	s6 =	sshll.u32 s6, $0x14;
	s3 =	rddreg [dreg:$0x2]  }
0xb: {  	s25 =	sshrl.u32 s0, $0x1;
	p0 =	seq.s32 s2, $0x0;
	s2 =	sshrl.u32 s2, $0x3  }
0xc: {  	s0 =	ssub.s32 s0, s25;
	s10 =	sadd.s32 $0x400, s1;
	p0 =	por !p1, !p0  }
0xd: {  	s12 =	sadd.s32 $0x500, s1;
	s13 =	sadd.s32 $0x600, s1;
	p0 =	por !p0, !p0  }
0xe: {  	s14 =	sadd.s32 $0x700, s1;
	s25 =	simm.s32 $0xC;
	s4 =	simm.s32 @!p0 $0x0  }
0xf: {  	s0 =	smax.u32 s0, $0x1;
	s2 =	ssub.s32 s2, s4;
	s4 =	simm.s32 $0x0  }
0x10: {  	s5 =	sshll.u32 s2, $0xC;
	s9 =	sshll.u32 s2, $0x7;
	[smem:$0x7FF] =	sst s4  }
0x11: {  	s2 =	sshll.u32 s2, $0x17;
	s5 =	sand.u32 $0xFFFFC000, s5;
	s24 =	sand.u32 $0x180, s9  }
0x12: {  	_ =	strace $0x80000047;
	s9 =	sadd.s32 $0x300, s1;
	s2 =	sor.u32 s6, s2  }
0x13: {  	[dreg:$0x6] =	wrdreg s0;
	s6 =	simm.s32 $0x0;
	s5 =	sor.u32 s8, s5  }
.Ltmp0:
0x14: {  	[dreg:$0x5] =	wrdreg s2;
	s2 =	sshrl.u32 s2, $0x3;
	(pc) =	sbr.rel .LBB2_1-.Ltmp0, $4  }
0x15: {  	s5 =	sor.u32 s24, s5;
	s26 =	sadd.s32 s2, s3;
	s2 =	simm.s32 $0x10200  }
0x16: {  	v0 =	vlaneseq.u32;
	s24 =	simm.s32 $0xB;
	s8 =	sshrl.u32 s5, $0x3;
	[dreg:$0x7] =	wrdreg s26  }
0x17: {  	v1 =	vshrl.u32 v0, $0x3;
	s5 =	simm.s32 $0xC200;
	s26 =	simm.s32 $0xD;
	s7 =	sadd.s32 s7, s8  }
0x18: {  	vm0 =	vmmov $0xffff;
	v0 =	vand.u32 $0x7, v0;
	v1 =	vmul.u32 $0x8, v1;
	s8 =	sadd.s32 $0x200, s1;
	[dreg:$0x4] =	wrdreg s7;
	s7 =	sadd.s32 $0x100, s1  }
.LBB2_9:
0x19: {  	_ =	swait.ge [sflag:s31], $0x4000  }
0x1a: {  	[sflag:s31] =	ssyncset.done $0x0  }
0x1b: {  	[sflag:s31] =	ssyncadd.s32 $0xFFFFC000  }
.LBB2_7:
0x1c: {  	s6 =	rddreg [dreg:$0x8]  }
0x1d: {  	s0 =	rddreg [dreg:$0x6];
	s6 =	sadd.s32 $0x1, s6  }
0x1e: {  	p0 =	sne.s32 s6, s0  }
.Ltmp1:
0x1f: {  	_ = 	snop;
	(pc) =	sbr.rel @!p0 .LBB2_8-.Ltmp1, $3  }
0x20: {  	_ =	sdelay $0x1  }
0x21: {  	s11 =	simm.s32 $0x4200;
	s15 =	simm.s32 $0x8200;
	s5 =	simm.s32 $0xC200  }
0x22: {  	s2 =	simm.s32 $0x10200;
	s16 =	simm.s32 $0x14200;
	s17 =	simm.s32 $0x18200  }
.LBB2_1:
0x23: {  	[dreg:$0x8] =	wrdreg s6  }
0x24: {  	s0 =	rddreg [dreg:$0x4];
	s6 =	simm.s32 $0x80  }
0x25: {  	[tilespmem:s4], [sflag:$0xF] =	stream.strided.gather [hbm4b:s0+s6], $0x200, s19, s6, $0x38;
	[tilespmem:$0x1C200] =	vst v63  }
0x26: {  	s6 =	simm.s32 $0xF  }
0x27: {  	_ =	swait.ge [sflag:s6], $0x200  }
0x28: {  	[sflag:s6] =	ssyncset.done $0x0  }
0x29: {  	[sflag:s6] =	ssyncadd.s32 $0xFFFFFE00  }
0x2a: {  	v2 =	vld.msk [tilespmem:$0x0], $0xff;
	_ =	sdelay $0x4  }
0x2b: {  	v3 =	vshll.u32 v2, $0x4  }
0x2c: {  	v2 =	vand.u32 $0x7, v2;
	v3 =	vand.u32 $0xFFFFFF80, v3  }
0x2d: {  	v2 =	vor.u32 v2, v3  }
0x2e: {  	v2 =	vperm.xlane v2, v0;
	_ =	sdelay $0x1  }
0x2f: {  	v2 =	vadd.s32 v1, v2;
	_ =	sdelay $0x4  }
0x30: {  	[tilespmem:s19], [sflag:$0x1] =	stream.indirect_vreg.gather [hbm4b:s1+s4], $0x80, v2, vm0, $0xb8;
	[tilespmem:$0x1C200] =	vst v63  }
0x31: {  	s6 =	simm.s32 $0xA00  }
0x32: {  	[tilespmem:s6], [sflag:$0x1] =	stream.indirect_vreg.gather [hbm4b:s7+s4], $0x80, v2, vm0, $0xb8;
	[tilespmem:$0x1C200] =	vst v63  }
0x33: {  	s6 =	simm.s32 $0x1200  }
0x34: {  	[tilespmem:s6], [sflag:$0x1] =	stream.indirect_vreg.gather [hbm4b:s8+s4], $0x80, v2, vm0, $0xb8;
	[tilespmem:$0x1C200] =	vst v63  }
0x35: {  	s6 =	simm.s32 $0x1A00  }
0x36: {  	[tilespmem:s6], [sflag:$0x1] =	stream.indirect_vreg.gather [hbm4b:s9+s4], $0x80, v2, vm0, $0xb8;
	[tilespmem:$0x1C200] =	vst v63  }
0x37: {  	s6 =	simm.s32 $0x2200  }
0x38: {  	[tilespmem:s6], [sflag:$0x1] =	stream.indirect_vreg.gather [hbm4b:s10+s4], $0x80, v2, vm0, $0xb8;
	[tilespmem:$0x1C200] =	vst v63  }
0x39: {  	s6 =	simm.s32 $0x2A00  }
0x3a: {  	[tilespmem:s6], [sflag:$0x1] =	stream.indirect_vreg.gather [hbm4b:s12+s4], $0x80, v2, vm0, $0xb8;
	[tilespmem:$0x1C200] =	vst v63  }
0x3b: {  	s6 =	simm.s32 $0x3200  }
0x3c: {  	[tilespmem:s6], [sflag:$0x1] =	stream.indirect_vreg.gather [hbm4b:s13+s4], $0x80, v2, vm0, $0xb8;
	[tilespmem:$0x1C200] =	vst v63  }
0x3d: {  	s6 =	simm.s32 $0x3A00  }
0x3e: {  	[tilespmem:s6], [sflag:$0x1] =	stream.indirect_vreg.gather [hbm4b:s14+s4], $0x80, v2, vm0, $0xb8;
	[tilespmem:$0x1C200] =	vst v63  }
0x3f: {  	v2 =	vld.msk [tilespmem:$0x8], $0xff;
	_ =	sdelay $0x4  }
0x40: {  	v3 =	vshll.u32 v2, $0x4  }
0x41: {  	v2 =	vand.u32 $0x7, v2;
	v3 =	vand.u32 $0xFFFFFF80, v3  }
0x42: {  	v2 =	vor.u32 v2, v3  }
0x43: {  	v2 =	vperm.xlane v2, v0;
	_ =	sdelay $0x1  }
0x44: {  	v2 =	vadd.s32 v1, v2;
	_ =	sdelay $0x4  }
0x45: {  	[tilespmem:s11], [sflag:$0x2] =	stream.indirect_vreg.gather [hbm4b:s1+s4], $0x80, v2, vm0, $0xb8;
	[tilespmem:$0x1C200] =	vst v63  }
0x46: {  	s6 =	simm.s32 $0x4A00  }
0x47: {  	[tilespmem:s6], [sflag:$0x2] =	stream.indirect_vreg.gather [hbm4b:s7+s4], $0x80, v2, vm0, $0xb8;
	[tilespmem:$0x1C200] =	vst v63  }
0x48: {  	s11 =	simm.s32 $0x5200  }
0x49: {  	[tilespmem:s11], [sflag:$0x2] =	stream.indirect_vreg.gather [hbm4b:s8+s4], $0x80, v2, vm0, $0xb8;
	[tilespmem:$0x1C200] =	vst v63  }
0x4a: {  	s6 =	simm.s32 $0x5A00  }
0x4b: {  	[tilespmem:s6], [sflag:$0x2] =	stream.indirect_vreg.gather [hbm4b:s9+s4], $0x80, v2, vm0, $0xb8;
	[tilespmem:$0x1C200] =	vst v63  }
0x4c: {  	s11 =	simm.s32 $0x6200  }
0x4d: {  	[tilespmem:s11], [sflag:$0x2] =	stream.indirect_vreg.gather [hbm4b:s10+s4], $0x80, v2, vm0, $0xb8;
	[tilespmem:$0x1C200] =	vst v63  }
0x4e: {  	s6 =	simm.s32 $0x6A00  }
0x4f: {  	[tilespmem:s6], [sflag:$0x2] =	stream.indirect_vreg.gather [hbm4b:s12+s4], $0x80, v2, vm0, $0xb8;
	[tilespmem:$0x1C200] =	vst v63  }
0x50: {  	s11 =	simm.s32 $0x7200  }
0x51: {  	[tilespmem:s11], [sflag:$0x2] =	stream.indirect_vreg.gather [hbm4b:s13+s4], $0x80, v2, vm0, $0xb8;
	[tilespmem:$0x1C200] =	vst v63  }
0x52: {  	s6 =	simm.s32 $0x7A00  }
0x53: {  	[tilespmem:s6], [sflag:$0x2] =	stream.indirect_vreg.gather [hbm4b:s14+s4], $0x80, v2, vm0, $0xb8;
	[tilespmem:$0x1C200] =	vst v63  }
0x54: {  	v2 =	vld.msk [tilespmem:$0x10], $0xff;
	_ =	sdelay $0x4  }
0x55: {  	v3 =	vshll.u32 v2, $0x4  }
0x56: {  	v2 =	vand.u32 $0x7, v2;
	v3 =	vand.u32 $0xFFFFFF80, v3  }
0x57: {  	v2 =	vor.u32 v2, v3  }
0x58: {  	v2 =	vperm.xlane v2, v0;
	_ =	sdelay $0x1  }
0x59: {  	v2 =	vadd.s32 v1, v2;
	_ =	sdelay $0x4  }
0x5a: {  	[tilespmem:s15], [sflag:$0x3] =	stream.indirect_vreg.gather [hbm4b:s1+s4], $0x80, v2, vm0, $0xb8;
	[tilespmem:$0x1C200] =	vst v63  }
0x5b: {  	s11 =	simm.s32 $0x8A00  }
0x5c: {  	[tilespmem:s11], [sflag:$0x3] =	stream.indirect_vreg.gather [hbm4b:s7+s4], $0x80, v2, vm0, $0xb8;
	[tilespmem:$0x1C200] =	vst v63  }
0x5d: {  	s15 =	simm.s32 $0x9200  }
0x5e: {  	[tilespmem:s15], [sflag:$0x3] =	stream.indirect_vreg.gather [hbm4b:s8+s4], $0x80, v2, vm0, $0xb8;
	[tilespmem:$0x1C200] =	vst v63  }
0x5f: {  	s6 =	simm.s32 $0x9A00  }
0x60: {  	[tilespmem:s6], [sflag:$0x3] =	stream.indirect_vreg.gather [hbm4b:s9+s4], $0x80, v2, vm0, $0xb8;
	[tilespmem:$0x1C200] =	vst v63  }
0x61: {  	s11 =	simm.s32 $0xA200  }
0x62: {  	[tilespmem:s11], [sflag:$0x3] =	stream.indirect_vreg.gather [hbm4b:s10+s4], $0x80, v2, vm0, $0xb8;
	[tilespmem:$0x1C200] =	vst v63  }
0x63: {  	s15 =	simm.s32 $0xAA00  }
0x64: {  	[tilespmem:s15], [sflag:$0x3] =	stream.indirect_vreg.gather [hbm4b:s12+s4], $0x80, v2, vm0, $0xb8;
	[tilespmem:$0x1C200] =	vst v63  }
0x65: {  	s6 =	simm.s32 $0xB200  }
0x66: {  	[tilespmem:s6], [sflag:$0x3] =	stream.indirect_vreg.gather [hbm4b:s13+s4], $0x80, v2, vm0, $0xb8;
	[tilespmem:$0x1C200] =	vst v63  }
0x67: {  	s11 =	simm.s32 $0xBA00  }
0x68: {  	[tilespmem:s11], [sflag:$0x3] =	stream.indirect_vreg.gather [hbm4b:s14+s4], $0x80, v2, vm0, $0xb8;
	[tilespmem:$0x1C200] =	vst v63  }
0x69: {  	v2 =	vld.msk [tilespmem:$0x18], $0xff;
	_ =	sdelay $0x4  }
0x6a: {  	v3 =	vshll.u32 v2, $0x4  }
0x6b: {  	v2 =	vand.u32 $0x7, v2;
	v3 =	vand.u32 $0xFFFFFF80, v3  }
0x6c: {  	v2 =	vor.u32 v2, v3  }
0x6d: {  	v2 =	vperm.xlane v2, v0;
	_ =	sdelay $0x1  }
0x6e: {  	v2 =	vadd.s32 v1, v2;
	_ =	sdelay $0x4  }
0x6f: {  	[tilespmem:s5], [sflag:$0x4] =	stream.indirect_vreg.gather [hbm4b:s1+s4], $0x80, v2, vm0, $0xb8;
	[tilespmem:$0x1C200] =	vst v63  }
0x70: {  	s15 =	simm.s32 $0xCA00  }
0x71: {  	[tilespmem:s15], [sflag:$0x4] =	stream.indirect_vreg.gather [hbm4b:s7+s4], $0x80, v2, vm0, $0xb8;
	[tilespmem:$0x1C200] =	vst v63  }
0x72: {  	s5 =	simm.s32 $0xD200  }
0x73: {  	[tilespmem:s5], [sflag:$0x4] =	stream.indirect_vreg.gather [hbm4b:s8+s4], $0x80, v2, vm0, $0xb8;
	[tilespmem:$0x1C200] =	vst v63  }
0x74: {  	s6 =	simm.s32 $0xDA00  }
0x75: {  	[tilespmem:s6], [sflag:$0x4] =	stream.indirect_vreg.gather [hbm4b:s9+s4], $0x80, v2, vm0, $0xb8;
	[tilespmem:$0x1C200] =	vst v63  }
0x76: {  	s11 =	simm.s32 $0xE200  }
0x77: {  	[tilespmem:s11], [sflag:$0x4] =	stream.indirect_vreg.gather [hbm4b:s10+s4], $0x80, v2, vm0, $0xb8;
	[tilespmem:$0x1C200] =	vst v63  }
0x78: {  	s15 =	simm.s32 $0xEA00  }
0x79: {  	[tilespmem:s15], [sflag:$0x4] =	stream.indirect_vreg.gather [hbm4b:s12+s4], $0x80, v2, vm0, $0xb8;
	[tilespmem:$0x1C200] =	vst v63  }
0x7a: {  	s5 =	simm.s32 $0xF200  }
0x7b: {  	[tilespmem:s5], [sflag:$0x4] =	stream.indirect_vreg.gather [hbm4b:s13+s4], $0x80, v2, vm0, $0xb8;
	[tilespmem:$0x1C200] =	vst v63  }
0x7c: {  	s6 =	simm.s32 $0xFA00  }
0x7d: {  	[tilespmem:s6], [sflag:$0x4] =	stream.indirect_vreg.gather [hbm4b:s14+s4], $0x80, v2, vm0, $0xb8;
	[tilespmem:$0x1C200] =	vst v63  }
0x7e: {  	v2 =	vld.msk [tilespmem:$0x20], $0xff;
	_ =	sdelay $0x4  }
0x7f: {  	v3 =	vshll.u32 v2, $0x4  }
0x80: {  	v2 =	vand.u32 $0x7, v2;
	v3 =	vand.u32 $0xFFFFFF80, v3  }
0x81: {  	v2 =	vor.u32 v2, v3  }
0x82: {  	v2 =	vperm.xlane v2, v0;
	_ =	sdelay $0x1  }
0x83: {  	v2 =	vadd.s32 v1, v2;
	_ =	sdelay $0x4  }
0x84: {  	[tilespmem:s2], [sflag:$0x5] =	stream.indirect_vreg.gather [hbm4b:s1+s4], $0x80, v2, vm0, $0xb8;
	[tilespmem:$0x1C200] =	vst v63  }
0x85: {  	s11 =	simm.s32 $0x10A00  }
0x86: {  	[tilespmem:s11], [sflag:$0x5] =	stream.indirect_vreg.gather [hbm4b:s7+s4], $0x80, v2, vm0, $0xb8;
	[tilespmem:$0x1C200] =	vst v63  }
0x87: {  	s15 =	simm.s32 $0x11200  }
0x88: {  	[tilespmem:s15], [sflag:$0x5] =	stream.indirect_vreg.gather [hbm4b:s8+s4], $0x80, v2, vm0, $0xb8;
	[tilespmem:$0x1C200] =	vst v63  }
0x89: {  	s2 =	simm.s32 $0x11A00  }
0x8a: {  	[tilespmem:s2], [sflag:$0x5] =	stream.indirect_vreg.gather [hbm4b:s9+s4], $0x80, v2, vm0, $0xb8;
	[tilespmem:$0x1C200] =	vst v63  }
0x8b: {  	s5 =	simm.s32 $0x12200  }
0x8c: {  	[tilespmem:s5], [sflag:$0x5] =	stream.indirect_vreg.gather [hbm4b:s10+s4], $0x80, v2, vm0, $0xb8;
	[tilespmem:$0x1C200] =	vst v63  }
0x8d: {  	s6 =	simm.s32 $0x12A00  }
0x8e: {  	[tilespmem:s6], [sflag:$0x5] =	stream.indirect_vreg.gather [hbm4b:s12+s4], $0x80, v2, vm0, $0xb8;
	[tilespmem:$0x1C200] =	vst v63  }
0x8f: {  	s11 =	simm.s32 $0x13200  }
0x90: {  	[tilespmem:s11], [sflag:$0x5] =	stream.indirect_vreg.gather [hbm4b:s13+s4], $0x80, v2, vm0, $0xb8;
	[tilespmem:$0x1C200] =	vst v63  }
0x91: {  	s15 =	simm.s32 $0x13A00  }
0x92: {  	[tilespmem:s15], [sflag:$0x5] =	stream.indirect_vreg.gather [hbm4b:s14+s4], $0x80, v2, vm0, $0xb8;
	[tilespmem:$0x1C200] =	vst v63  }
0x93: {  	v2 =	vld.msk [tilespmem:$0x28], $0xff;
	_ =	sdelay $0x4  }
0x94: {  	v3 =	vshll.u32 v2, $0x4  }
0x95: {  	v2 =	vand.u32 $0x7, v2;
	v3 =	vand.u32 $0xFFFFFF80, v3  }
0x96: {  	v2 =	vor.u32 v2, v3  }
0x97: {  	v2 =	vperm.xlane v2, v0;
	_ =	sdelay $0x1  }
0x98: {  	v2 =	vadd.s32 v1, v2;
	_ =	sdelay $0x4  }
0x99: {  	[tilespmem:s16], [sflag:$0x6] =	stream.indirect_vreg.gather [hbm4b:s1+s4], $0x80, v2, vm0, $0xb8;
	[tilespmem:$0x1C200] =	vst v63  }
0x9a: {  	s16 =	simm.s32 $0x14A00  }
0x9b: {  	[tilespmem:s16], [sflag:$0x6] =	stream.indirect_vreg.gather [hbm4b:s7+s4], $0x80, v2, vm0, $0xb8;
	[tilespmem:$0x1C200] =	vst v63  }
0x9c: {  	s2 =	simm.s32 $0x15200  }
0x9d: {  	[tilespmem:s2], [sflag:$0x6] =	stream.indirect_vreg.gather [hbm4b:s8+s4], $0x80, v2, vm0, $0xb8;
	[tilespmem:$0x1C200] =	vst v63  }
0x9e: {  	s5 =	simm.s32 $0x15A00  }
0x9f: {  	[tilespmem:s5], [sflag:$0x6] =	stream.indirect_vreg.gather [hbm4b:s9+s4], $0x80, v2, vm0, $0xb8;
	[tilespmem:$0x1C200] =	vst v63  }
0xa0: {  	s6 =	simm.s32 $0x16200  }
0xa1: {  	[tilespmem:s6], [sflag:$0x6] =	stream.indirect_vreg.gather [hbm4b:s10+s4], $0x80, v2, vm0, $0xb8;
	[tilespmem:$0x1C200] =	vst v63  }
0xa2: {  	s11 =	simm.s32 $0x16A00  }
0xa3: {  	[tilespmem:s11], [sflag:$0x6] =	stream.indirect_vreg.gather [hbm4b:s12+s4], $0x80, v2, vm0, $0xb8;
	[tilespmem:$0x1C200] =	vst v63  }
0xa4: {  	s15 =	simm.s32 $0x17200  }
0xa5: {  	[tilespmem:s15], [sflag:$0x6] =	stream.indirect_vreg.gather [hbm4b:s13+s4], $0x80, v2, vm0, $0xb8;
	[tilespmem:$0x1C200] =	vst v63  }
0xa6: {  	s16 =	simm.s32 $0x17A00  }
0xa7: {  	[tilespmem:s16], [sflag:$0x6] =	stream.indirect_vreg.gather [hbm4b:s14+s4], $0x80, v2, vm0, $0xb8;
	[tilespmem:$0x1C200] =	vst v63  }
0xa8: {  	v2 =	vld.msk [tilespmem:$0x30], $0xff;
	_ =	sdelay $0x4  }
0xa9: {  	v3 =	vshll.u32 v2, $0x4  }
0xaa: {  	v2 =	vand.u32 $0x7, v2;
	v3 =	vand.u32 $0xFFFFFF80, v3  }
0xab: {  	v2 =	vor.u32 v2, v3  }
0xac: {  	v2 =	vperm.xlane v2, v0;
	_ =	sdelay $0x1  }
0xad: {  	v2 =	vadd.s32 v1, v2;
	_ =	sdelay $0x4  }
0xae: {  	[tilespmem:s17], [sflag:$0x7] =	stream.indirect_vreg.gather [hbm4b:s1+s4], $0x80, v2, vm0, $0xb8;
	[tilespmem:$0x1C200] =	vst v63  }
0xaf: {  	s2 =	simm.s32 $0x18A00  }
0xb0: {  	[tilespmem:s2], [sflag:$0x7] =	stream.indirect_vreg.gather [hbm4b:s7+s4], $0x80, v2, vm0, $0xb8;
	[tilespmem:$0x1C200] =	vst v63  }
0xb1: {  	s5 =	simm.s32 $0x19200  }
0xb2: {  	[tilespmem:s5], [sflag:$0x7] =	stream.indirect_vreg.gather [hbm4b:s8+s4], $0x80, v2, vm0, $0xb8;
	[tilespmem:$0x1C200] =	vst v63  }
0xb3: {  	s6 =	simm.s32 $0x19A00  }
0xb4: {  	[tilespmem:s6], [sflag:$0x7] =	stream.indirect_vreg.gather [hbm4b:s9+s4], $0x80, v2, vm0, $0xb8;
	[tilespmem:$0x1C200] =	vst v63  }
0xb5: {  	s11 =	simm.s32 $0x1A200  }
0xb6: {  	[tilespmem:s11], [sflag:$0x7] =	stream.indirect_vreg.gather [hbm4b:s10+s4], $0x80, v2, vm0, $0xb8;
	[tilespmem:$0x1C200] =	vst v63  }
0xb7: {  	s15 =	simm.s32 $0x1AA00  }
0xb8: {  	[tilespmem:s15], [sflag:$0x7] =	stream.indirect_vreg.gather [hbm4b:s12+s4], $0x80, v2, vm0, $0xb8;
	[tilespmem:$0x1C200] =	vst v63  }
.Ltmp2:
0xb9: {  	s16 =	simm.s32 $0x1B200;
	(pc) =	sbr.rel .LBB2_2-.Ltmp2, $4  }
0xba: {  	[tilespmem:s16], [sflag:$0x7] =	stream.indirect_vreg.gather [hbm4b:s13+s4], $0x80, v2, vm0, $0xb8;
	[tilespmem:$0x1C200] =	vst v63  }
0xbb: {  	s0 =	rddreg [dreg:$0x7];
	s17 =	simm.s32 $0x1BA00  }
0xbc: {  	[tilespmem:s17], [sflag:$0x7] =	stream.indirect_vreg.gather [hbm4b:s14+s4], $0x80, v2, vm0, $0xb8;
	[tilespmem:$0x1C200] =	vst v63  }
0xbd: {  	s6 =	simm.s32 $0x0;
	s15 =	simm.s32 $0x68;
	s17 =	simm.s32 $0x0  }
.LBB2_5:
0xbe: {  	v2 =	vld.msk [tilespmem:s15+$0xFFFFFFD8], $0xff;
	_ =	sdelay $0x4  }
0xbf: {  	v3 =	vshll.u32 v2, $0x4  }
0xc0: {  	v2 =	vand.u32 $0x7, v2;
	v3 =	vand.u32 $0xFFFFFF80, v3  }
0xc1: {  	v2 =	vor.u32 v2, v3  }
0xc2: {  	v2 =	vperm.xlane v2, v0;
	_ =	sdelay $0x1  }
0xc3: {  	v2 =	vadd.s32 v1, v2;
	_ =	sdelay $0x4  }
0xc4: {  	[tilespmem:s18], [sflag:$0x2] =	stream.indirect_vreg.gather [hbm4b:s1+s4], $0x80, v2, vm0, $0xb8;
	[tilespmem:$0x1C200] =	vst v63  }
0xc5: {  	s11 =	simm.s32 $0x4A00  }
0xc6: {  	[tilespmem:s11], [sflag:$0x2] =	stream.indirect_vreg.gather [hbm4b:s7+s4], $0x80, v2, vm0, $0xb8;
	[tilespmem:$0x1C200] =	vst v63  }
0xc7: {  	s11 =	simm.s32 $0x5200  }
0xc8: {  	[tilespmem:s11], [sflag:$0x2] =	stream.indirect_vreg.gather [hbm4b:s8+s4], $0x80, v2, vm0, $0xb8;
	[tilespmem:$0x1C200] =	vst v63  }
0xc9: {  	s11 =	simm.s32 $0x5A00  }
0xca: {  	[tilespmem:s11], [sflag:$0x2] =	stream.indirect_vreg.gather [hbm4b:s9+s4], $0x80, v2, vm0, $0xb8;
	[tilespmem:$0x1C200] =	vst v63  }
0xcb: {  	s11 =	simm.s32 $0x6200  }
0xcc: {  	[tilespmem:s11], [sflag:$0x2] =	stream.indirect_vreg.gather [hbm4b:s10+s4], $0x80, v2, vm0, $0xb8;
	[tilespmem:$0x1C200] =	vst v63  }
0xcd: {  	s11 =	simm.s32 $0x6A00  }
0xce: {  	[tilespmem:s11], [sflag:$0x2] =	stream.indirect_vreg.gather [hbm4b:s12+s4], $0x80, v2, vm0, $0xb8;
	[tilespmem:$0x1C200] =	vst v63  }
0xcf: {  	s11 =	simm.s32 $0x7200  }
0xd0: {  	[tilespmem:s11], [sflag:$0x2] =	stream.indirect_vreg.gather [hbm4b:s13+s4], $0x80, v2, vm0, $0xb8;
	[tilespmem:$0x1C200] =	vst v63  }
0xd1: {  	s11 =	simm.s32 $0x7A00  }
0xd2: {  	[tilespmem:s11], [sflag:$0x2] =	stream.indirect_vreg.gather [hbm4b:s14+s4], $0x80, v2, vm0, $0xb8;
	[tilespmem:$0x1C200] =	vst v63  }
0xd3: {  	_ =	swait.ge [sflag:s23], $0x4000  }
0xd4: {  	[sflag:s23] =	ssyncset.done $0x0  }
0xd5: {  	[sflag:s23] =	ssyncadd.s32 $0xFFFFC000  }
0xd6: {  	v2 =	vld.msk [tilespmem:s15+$0xFFFFFFE0], $0xff;
	_ =	sdelay $0x4  }
0xd7: {  	v3 =	vshll.u32 v2, $0x4  }
0xd8: {  	v2 =	vand.u32 $0x7, v2;
	v3 =	vand.u32 $0xFFFFFF80, v3  }
0xd9: {  	v2 =	vor.u32 v2, v3  }
0xda: {  	v2 =	vperm.xlane v2, v0;
	_ =	sdelay $0x1  }
0xdb: {  	v2 =	vadd.s32 v1, v2;
	_ =	sdelay $0x4  }
0xdc: {  	[tilespmem:s5], [sflag:$0x3] =	stream.indirect_vreg.gather [hbm4b:s1+s4], $0x80, v2, vm0, $0xb8;
	[tilespmem:$0x1C200] =	vst v63  }
0xdd: {  	s11 =	simm.s32 $0x8A00  }
0xde: {  	[tilespmem:s11], [sflag:$0x3] =	stream.indirect_vreg.gather [hbm4b:s7+s4], $0x80, v2, vm0, $0xb8;
	[tilespmem:$0x1C200] =	vst v63  }
0xdf: {  	s11 =	simm.s32 $0x9200  }
0xe0: {  	[tilespmem:s11], [sflag:$0x3] =	stream.indirect_vreg.gather [hbm4b:s8+s4], $0x80, v2, vm0, $0xb8;
	[tilespmem:$0x1C200] =	vst v63  }
0xe1: {  	s11 =	simm.s32 $0x9A00  }
0xe2: {  	[tilespmem:s11], [sflag:$0x3] =	stream.indirect_vreg.gather [hbm4b:s9+s4], $0x80, v2, vm0, $0xb8;
	[tilespmem:$0x1C200] =	vst v63  }
0xe3: {  	s11 =	simm.s32 $0xA200  }
0xe4: {  	[tilespmem:s11], [sflag:$0x3] =	stream.indirect_vreg.gather [hbm4b:s10+s4], $0x80, v2, vm0, $0xb8;
	[tilespmem:$0x1C200] =	vst v63  }
0xe5: {  	s11 =	simm.s32 $0xAA00  }
0xe6: {  	[tilespmem:s11], [sflag:$0x3] =	stream.indirect_vreg.gather [hbm4b:s12+s4], $0x80, v2, vm0, $0xb8;
	[tilespmem:$0x1C200] =	vst v63  }
0xe7: {  	s11 =	simm.s32 $0xB200  }
0xe8: {  	[tilespmem:s11], [sflag:$0x3] =	stream.indirect_vreg.gather [hbm4b:s13+s4], $0x80, v2, vm0, $0xb8;
	[tilespmem:$0x1C200] =	vst v63  }
0xe9: {  	s11 =	simm.s32 $0xBA00  }
0xea: {  	[tilespmem:s11], [sflag:$0x3] =	stream.indirect_vreg.gather [hbm4b:s14+s4], $0x80, v2, vm0, $0xb8;
	[tilespmem:$0x1C200] =	vst v63  }
0xeb: {  	_ =	swait.ge [sflag:s24], $0x4000  }
0xec: {  	[sflag:s24] =	ssyncset.done $0x0  }
0xed: {  	[sflag:s24] =	ssyncadd.s32 $0xFFFFC000  }
0xee: {  	v2 =	vld.msk [tilespmem:s15+$0xFFFFFFE8], $0xff;
	_ =	sdelay $0x4  }
0xef: {  	v3 =	vshll.u32 v2, $0x4  }
0xf0: {  	v2 =	vand.u32 $0x7, v2;
	v3 =	vand.u32 $0xFFFFFF80, v3  }
0xf1: {  	v2 =	vor.u32 v2, v3  }
0xf2: {  	v2 =	vperm.xlane v2, v0;
	_ =	sdelay $0x1  }
0xf3: {  	v2 =	vadd.s32 v1, v2;
	_ =	sdelay $0x4  }
0xf4: {  	[tilespmem:s2], [sflag:$0x4] =	stream.indirect_vreg.gather [hbm4b:s1+s4], $0x80, v2, vm0, $0xb8;
	[tilespmem:$0x1C200] =	vst v63  }
0xf5: {  	s11 =	simm.s32 $0xCA00  }
0xf6: {  	[tilespmem:s11], [sflag:$0x4] =	stream.indirect_vreg.gather [hbm4b:s7+s4], $0x80, v2, vm0, $0xb8;
	[tilespmem:$0x1C200] =	vst v63  }
0xf7: {  	s5 =	simm.s32 $0xD200  }
0xf8: {  	[tilespmem:s5], [sflag:$0x4] =	stream.indirect_vreg.gather [hbm4b:s8+s4], $0x80, v2, vm0, $0xb8;
	[tilespmem:$0x1C200] =	vst v63  }
0xf9: {  	s11 =	simm.s32 $0xDA00  }
0xfa: {  	[tilespmem:s11], [sflag:$0x4] =	stream.indirect_vreg.gather [hbm4b:s9+s4], $0x80, v2, vm0, $0xb8;
	[tilespmem:$0x1C200] =	vst v63  }
0xfb: {  	s5 =	simm.s32 $0xE200  }
0xfc: {  	[tilespmem:s5], [sflag:$0x4] =	stream.indirect_vreg.gather [hbm4b:s10+s4], $0x80, v2, vm0, $0xb8;
	[tilespmem:$0x1C200] =	vst v63  }
0xfd: {  	s11 =	simm.s32 $0xEA00  }
0xfe: {  	[tilespmem:s11], [sflag:$0x4] =	stream.indirect_vreg.gather [hbm4b:s12+s4], $0x80, v2, vm0, $0xb8;
	[tilespmem:$0x1C200] =	vst v63  }
0xff: {  	s5 =	simm.s32 $0xF200  }
0x100: {  	[tilespmem:s5], [sflag:$0x4] =	stream.indirect_vreg.gather [hbm4b:s13+s4], $0x80, v2, vm0, $0xb8;
	[tilespmem:$0x1C200] =	vst v63  }
0x101: {  	s11 =	simm.s32 $0xFA00  }
0x102: {  	[tilespmem:s11], [sflag:$0x4] =	stream.indirect_vreg.gather [hbm4b:s14+s4], $0x80, v2, vm0, $0xb8;
	[tilespmem:$0x1C200] =	vst v63  }
0x103: {  	_ =	swait.ge [sflag:s25], $0x4000  }
0x104: {  	[sflag:s25] =	ssyncset.done $0x0  }
0x105: {  	[sflag:s25] =	ssyncadd.s32 $0xFFFFC000  }
0x106: {  	v2 =	vld.msk [tilespmem:s15+$0xFFFFFFF0], $0xff;
	_ =	sdelay $0x4  }
0x107: {  	v3 =	vshll.u32 v2, $0x4  }
0x108: {  	v2 =	vand.u32 $0x7, v2;
	v3 =	vand.u32 $0xFFFFFF80, v3  }
0x109: {  	v2 =	vor.u32 v2, v3  }
0x10a: {  	v2 =	vperm.xlane v2, v0;
	_ =	sdelay $0x1  }
0x10b: {  	v2 =	vadd.s32 v1, v2;
	_ =	sdelay $0x4  }
0x10c: {  	[tilespmem:s16], [sflag:$0x5] =	stream.indirect_vreg.gather [hbm4b:s1+s4], $0x80, v2, vm0, $0xb8;
	[tilespmem:$0x1C200] =	vst v63  }
0x10d: {  	s5 =	simm.s32 $0x10A00  }
0x10e: {  	[tilespmem:s5], [sflag:$0x5] =	stream.indirect_vreg.gather [hbm4b:s7+s4], $0x80, v2, vm0, $0xb8;
	[tilespmem:$0x1C200] =	vst v63  }
0x10f: {  	s11 =	simm.s32 $0x11200  }
0x110: {  	[tilespmem:s11], [sflag:$0x5] =	stream.indirect_vreg.gather [hbm4b:s8+s4], $0x80, v2, vm0, $0xb8;
	[tilespmem:$0x1C200] =	vst v63  }
0x111: {  	s16 =	simm.s32 $0x11A00  }
0x112: {  	[tilespmem:s16], [sflag:$0x5] =	stream.indirect_vreg.gather [hbm4b:s9+s4], $0x80, v2, vm0, $0xb8;
	[tilespmem:$0x1C200] =	vst v63  }
0x113: {  	s5 =	simm.s32 $0x12200  }
0x114: {  	[tilespmem:s5], [sflag:$0x5] =	stream.indirect_vreg.gather [hbm4b:s10+s4], $0x80, v2, vm0, $0xb8;
	[tilespmem:$0x1C200] =	vst v63  }
0x115: {  	s11 =	simm.s32 $0x12A00  }
0x116: {  	[tilespmem:s11], [sflag:$0x5] =	stream.indirect_vreg.gather [hbm4b:s12+s4], $0x80, v2, vm0, $0xb8;
	[tilespmem:$0x1C200] =	vst v63  }
0x117: {  	s16 =	simm.s32 $0x13200  }
0x118: {  	[tilespmem:s16], [sflag:$0x5] =	stream.indirect_vreg.gather [hbm4b:s13+s4], $0x80, v2, vm0, $0xb8;
	[tilespmem:$0x1C200] =	vst v63  }
0x119: {  	s5 =	simm.s32 $0x13A00  }
0x11a: {  	[tilespmem:s5], [sflag:$0x5] =	stream.indirect_vreg.gather [hbm4b:s14+s4], $0x80, v2, vm0, $0xb8;
	[tilespmem:$0x1C200] =	vst v63  }
0x11b: {  	_ =	swait.ge [sflag:s26], $0x4000  }
0x11c: {  	[sflag:s26] =	ssyncset.done $0x0  }
0x11d: {  	[sflag:s26] =	ssyncadd.s32 $0xFFFFC000  }
0x11e: {  	v2 =	vld.msk [tilespmem:s15+$0xFFFFFFF8], $0xff;
	_ =	sdelay $0x4  }
0x11f: {  	v3 =	vshll.u32 v2, $0x4  }
0x120: {  	v2 =	vand.u32 $0x7, v2;
	v3 =	vand.u32 $0xFFFFFF80, v3  }
0x121: {  	v2 =	vor.u32 v2, v3  }
0x122: {  	v2 =	vperm.xlane v2, v0;
	_ =	sdelay $0x1  }
0x123: {  	v2 =	vadd.s32 v1, v2;
	_ =	sdelay $0x4  }
0x124: {  	[tilespmem:s29], [sflag:$0x6] =	stream.indirect_vreg.gather [hbm4b:s1+s4], $0x80, v2, vm0, $0xb8;
	[tilespmem:$0x1C200] =	vst v63  }
0x125: {  	s11 =	simm.s32 $0x14A00  }
0x126: {  	[tilespmem:s11], [sflag:$0x6] =	stream.indirect_vreg.gather [hbm4b:s7+s4], $0x80, v2, vm0, $0xb8;
	[tilespmem:$0x1C200] =	vst v63  }
0x127: {  	s16 =	simm.s32 $0x15200  }
0x128: {  	[tilespmem:s16], [sflag:$0x6] =	stream.indirect_vreg.gather [hbm4b:s8+s4], $0x80, v2, vm0, $0xb8;
	[tilespmem:$0x1C200] =	vst v63  }
0x129: {  	s5 =	simm.s32 $0x15A00  }
0x12a: {  	[tilespmem:s5], [sflag:$0x6] =	stream.indirect_vreg.gather [hbm4b:s9+s4], $0x80, v2, vm0, $0xb8;
	[tilespmem:$0x1C200] =	vst v63  }
0x12b: {  	s11 =	simm.s32 $0x16200  }
0x12c: {  	[tilespmem:s11], [sflag:$0x6] =	stream.indirect_vreg.gather [hbm4b:s10+s4], $0x80, v2, vm0, $0xb8;
	[tilespmem:$0x1C200] =	vst v63  }
0x12d: {  	s16 =	simm.s32 $0x16A00  }
0x12e: {  	[tilespmem:s16], [sflag:$0x6] =	stream.indirect_vreg.gather [hbm4b:s12+s4], $0x80, v2, vm0, $0xb8;
	[tilespmem:$0x1C200] =	vst v63  }
0x12f: {  	s5 =	simm.s32 $0x17200  }
0x130: {  	[tilespmem:s5], [sflag:$0x6] =	stream.indirect_vreg.gather [hbm4b:s13+s4], $0x80, v2, vm0, $0xb8;
	[tilespmem:$0x1C200] =	vst v63  }
0x131: {  	s11 =	simm.s32 $0x17A00  }
0x132: {  	[tilespmem:s11], [sflag:$0x6] =	stream.indirect_vreg.gather [hbm4b:s14+s4], $0x80, v2, vm0, $0xb8;
	[tilespmem:$0x1C200] =	vst v63  }
0x133: {  	_ =	swait.ge [sflag:s28], $0x4000  }
0x134: {  	[sflag:s28] =	ssyncset.done $0x0  }
0x135: {  	[sflag:s28] =	ssyncadd.s32 $0xFFFFC000  }
0x136: {  	v2 =	vld.msk [tilespmem:s15+$0x0], $0xff;
	_ =	sdelay $0x4  }
0x137: {  	v3 =	vshll.u32 v2, $0x4  }
0x138: {  	v2 =	vand.u32 $0x7, v2;
	v3 =	vand.u32 $0xFFFFFF80, v3  }
0x139: {  	v2 =	vor.u32 v2, v3  }
0x13a: {  	v2 =	vperm.xlane v2, v0;
	_ =	sdelay $0x1  }
0x13b: {  	v2 =	vadd.s32 v1, v2;
	_ =	sdelay $0x4  }
0x13c: {  	[tilespmem:s30], [sflag:$0x7] =	stream.indirect_vreg.gather [hbm4b:s1+s4], $0x80, v2, vm0, $0xb8;
	[tilespmem:$0x1C200] =	vst v63  }
0x13d: {  	s16 =	simm.s32 $0x18A00  }
0x13e: {  	[tilespmem:s16], [sflag:$0x7] =	stream.indirect_vreg.gather [hbm4b:s7+s4], $0x80, v2, vm0, $0xb8;
	[tilespmem:$0x1C200] =	vst v63  }
0x13f: {  	s5 =	simm.s32 $0x19200  }
0x140: {  	[tilespmem:s5], [sflag:$0x7] =	stream.indirect_vreg.gather [hbm4b:s8+s4], $0x80, v2, vm0, $0xb8;
	[tilespmem:$0x1C200] =	vst v63  }
0x141: {  	s11 =	simm.s32 $0x19A00  }
0x142: {  	[tilespmem:s11], [sflag:$0x7] =	stream.indirect_vreg.gather [hbm4b:s9+s4], $0x80, v2, vm0, $0xb8;
	[tilespmem:$0x1C200] =	vst v63  }
0x143: {  	s16 =	simm.s32 $0x1A200  }
0x144: {  	[tilespmem:s16], [sflag:$0x7] =	stream.indirect_vreg.gather [hbm4b:s10+s4], $0x80, v2, vm0, $0xb8;
	[tilespmem:$0x1C200] =	vst v63  }
0x145: {  	s5 =	simm.s32 $0x1AA00  }
0x146: {  	[tilespmem:s5], [sflag:$0x7] =	stream.indirect_vreg.gather [hbm4b:s12+s4], $0x80, v2, vm0, $0xb8;
	[tilespmem:$0x1C200] =	vst v63  }
0x147: {  	s11 =	simm.s32 $0x1B200  }
0x148: {  	[tilespmem:s11], [sflag:$0x7] =	stream.indirect_vreg.gather [hbm4b:s13+s4], $0x80, v2, vm0, $0xb8;
	[tilespmem:$0x1C200] =	vst v63  }
0x149: {  	s16 =	simm.s32 $0x1BA00  }
0x14a: {  	[tilespmem:s16], [sflag:$0x7] =	stream.indirect_vreg.gather [hbm4b:s14+s4], $0x80, v2, vm0, $0xb8;
	[tilespmem:$0x1C200] =	vst v63  }
.LBB2_6:
0x14b: {  	s17 =	sadd.s32 $0x1C000, s17  }
0x14c: {  	p0 =	sne.s32 s17, $0x118000  }
.Ltmp3:
0x14d: {  	_ = 	snop;
	(pc) =	sbr.rel @!p0 .LBB2_7-.Ltmp3, $2  }
0x14e: {  	_ =	sdelay $0x2  }
0x14f: {  	s6 =	sadd.s32 $0x1, s6;
	s0 =	sadd.s32 $0x3800, s0;
	s15 =	sadd.s32 $0x38, s15  }
.LBB2_2:
0x150: {  	p0 =	seq.s32 s17, $0xFC000  }
.Ltmp4:
0x151: {  	s5 =	simm.s32 $0x1;
	(pc) =	sbr.rel @p0 .LBB2_9-.Ltmp4, $4  }
0x152: {  	_ =	swait.ge [sflag:s5], $0x4000  }
0x153: {  	[sflag:s5] =	ssyncset.done $0x0  }
0x154: {  	[sflag:s5] =	ssyncadd.s32 $0xFFFFC000  }
0x155: {  	[hbm4b:s0+s4] =	stream.linear.scatter [tilespmem:s19], [sflag:$0x8], $0x4000, $0x38;
	[tilespmem:$0x1C200] =	vst v63  }
0x156: {  	s11 =	rddreg [dreg:$0x5]  }
0x157: {  	s2 =	simm.s32 $0x2;
	s19 =	sadd.s32 s17, s11  }
0x158: {  	_ =	swait.ge [sflag:s2], $0x4000;
	s11 =	sadd.s32 $0x4000, s19  }
0x159: {  	[sflag:s2] =	ssyncset.done $0x0;
	s11 =	sshrl.u32 s11, $0x3  }
0x15a: {  	s16 =	simm.s32 $0x3;
	[sflag:s2] =	ssyncadd.s32 $0xFFFFC000;
	s11 =	sadd.s32 s3, s11  }
0x15b: {  	[hbm4b:s11+s4] =	stream.linear.scatter [tilespmem:s18], [sflag:$0x9], $0x4000, $0x38;
	[tilespmem:$0x1C200] =	vst v63  }
0x15c: {  	s5 =	sadd.s32 $0x8000, s19;
	_ =	swait.ge [sflag:s16], $0x4000  }
0x15d: {  	s2 =	simm.s32 $0x4;
	s11 =	sshrl.u32 s5, $0x3;
	[sflag:s16] =	ssyncset.done $0x0  }
0x15e: {  	s5 =	simm.s32 $0x8200;
	s11 =	sadd.s32 s3, s11;
	[sflag:s16] =	ssyncadd.s32 $0xFFFFC000  }
0x15f: {  	[hbm4b:s11+s4] =	stream.linear.scatter [tilespmem:s5], [sflag:$0xA], $0x4000, $0x38;
	[tilespmem:$0x1C200] =	vst v63  }
0x160: {  	s16 =	sadd.s32 $0xC000, s19;
	_ =	swait.ge [sflag:s2], $0x4000  }
0x161: {  	s11 =	sshrl.u32 s16, $0x3;
	s16 =	simm.s32 $0x5;
	[sflag:s2] =	ssyncset.done $0x0  }
0x162: {  	s11 =	sadd.s32 s3, s11;
	[sflag:s2] =	ssyncadd.s32 $0xFFFFC000;
	s2 =	simm.s32 $0xC200  }
0x163: {  	[hbm4b:s11+s4] =	stream.linear.scatter [tilespmem:s2], [sflag:$0xB], $0x4000, $0x38;
	[tilespmem:$0x1C200] =	vst v63  }
0x164: {  	s11 =	sadd.s32 $0x10000, s19;
	_ =	swait.ge [sflag:s16], $0x4000  }
0x165: {  	s11 =	sshrl.u32 s11, $0x3;
	[sflag:s16] =	ssyncset.done $0x0  }
0x166: {  	s11 =	sadd.s32 s3, s11;
	[sflag:s16] =	ssyncadd.s32 $0xFFFFC000;
	s16 =	simm.s32 $0x10200  }
0x167: {  	[hbm4b:s11+s4] =	stream.linear.scatter [tilespmem:s16], [sflag:$0xC], $0x4000, $0x38;
	[tilespmem:$0x1C200] =	vst v63  }
0x168: {  	s11 =	sadd.s32 $0x14000, s19;
	_ =	swait.ge [sflag:s20], $0x4000  }
0x169: {  	s11 =	sshrl.u32 s11, $0x3;
	[sflag:s20] =	ssyncset.done $0x0  }
0x16a: {  	s11 =	sadd.s32 s3, s11;
	[sflag:s20] =	ssyncadd.s32 $0xFFFFC000  }
0x16b: {  	[hbm4b:s11+s4] =	stream.linear.scatter [tilespmem:s29], [sflag:$0xD], $0x4000, $0x38;
	[tilespmem:$0x1C200] =	vst v63  }
0x16c: {  	s11 =	sadd.s32 $0x18000, s19;
	_ =	swait.ge [sflag:s21], $0x4000  }
0x16d: {  	s11 =	sshrl.u32 s11, $0x3;
	[sflag:s21] =	ssyncset.done $0x0  }
0x16e: {  	s11 =	sadd.s32 s3, s11;
	[sflag:s21] =	ssyncadd.s32 $0xFFFFC000  }
0x16f: {  	[hbm4b:s11+s4] =	stream.linear.scatter [tilespmem:s30], [sflag:$0xE], $0x4000, $0x38;
	[tilespmem:$0x1C200] =	vst v63  }
0x170: {  	_ =	swait.ge [sflag:s31], $0x4000  }
0x171: {  	[sflag:s31] =	ssyncset.done $0x0  }
0x172: {  	[sflag:s31] =	ssyncadd.s32 $0xFFFFC000  }
0x173: {  	v2 =	vld.msk [tilespmem:s15+$0xFFFFFFD0], $0xff;
	_ =	sdelay $0x4  }
0x174: {  	v3 =	vshll.u32 v2, $0x4  }
0x175: {  	v2 =	vand.u32 $0x7, v2;
	v3 =	vand.u32 $0xFFFFFF80, v3  }
0x176: {  	v2 =	vor.u32 v2, v3  }
0x177: {  	v2 =	vperm.xlane v2, v0;
	_ =	sdelay $0x1  }
0x178: {  	v2 =	vadd.s32 v1, v2;
	_ =	sdelay $0x3  }
0x179: {  	s19 =	simm.s32 $0x200  }
0x17a: {  	[tilespmem:s19], [sflag:$0x1] =	stream.indirect_vreg.gather [hbm4b:s1+s4], $0x80, v2, vm0, $0xb8;
	[tilespmem:$0x1C200] =	vst v63  }
0x17b: {  	s11 =	simm.s32 $0xA00  }
0x17c: {  	[tilespmem:s11], [sflag:$0x1] =	stream.indirect_vreg.gather [hbm4b:s7+s4], $0x80, v2, vm0, $0xb8;
	[tilespmem:$0x1C200] =	vst v63  }
0x17d: {  	s11 =	simm.s32 $0x1200  }
0x17e: {  	[tilespmem:s11], [sflag:$0x1] =	stream.indirect_vreg.gather [hbm4b:s8+s4], $0x80, v2, vm0, $0xb8;
	[tilespmem:$0x1C200] =	vst v63  }
0x17f: {  	s11 =	simm.s32 $0x1A00  }
0x180: {  	[tilespmem:s11], [sflag:$0x1] =	stream.indirect_vreg.gather [hbm4b:s9+s4], $0x80, v2, vm0, $0xb8;
	[tilespmem:$0x1C200] =	vst v63  }
0x181: {  	s11 =	simm.s32 $0x2200  }
0x182: {  	[tilespmem:s11], [sflag:$0x1] =	stream.indirect_vreg.gather [hbm4b:s10+s4], $0x80, v2, vm0, $0xb8;
	[tilespmem:$0x1C200] =	vst v63  }
0x183: {  	s11 =	simm.s32 $0x2A00  }
0x184: {  	[tilespmem:s11], [sflag:$0x1] =	stream.indirect_vreg.gather [hbm4b:s12+s4], $0x80, v2, vm0, $0xb8;
	[tilespmem:$0x1C200] =	vst v63  }
0x185: {  	p0 =	slt.u32 s6, $0x8;
	s11 =	simm.s32 $0x3200  }
0x186: {  	[tilespmem:s11], [sflag:$0x1] =	stream.indirect_vreg.gather [hbm4b:s13+s4], $0x80, v2, vm0, $0xb8;
	[tilespmem:$0x1C200] =	vst v63  }
.Ltmp5:
0x187: {  	s11 =	simm.s32 $0x3A00;
	(pc) =	sbr.rel @p0 .LBB2_5-.Ltmp5, $4  }
0x188: {  	[tilespmem:s11], [sflag:$0x1] =	stream.indirect_vreg.gather [hbm4b:s14+s4], $0x80, v2, vm0, $0xb8;
	[tilespmem:$0x1C200] =	vst v63  }
0x189: {  	_ =	swait.ge [sflag:s22], $0x4000  }
0x18a: {  	[sflag:s22] =	ssyncset.done $0x0  }
0x18b: {  	[sflag:s22] =	ssyncadd.s32 $0xFFFFC000  }
0x18c: {  	_ =	swait.ge [sflag:s23], $0x4000  }
0x18d: {  	[sflag:s23] =	ssyncset.done $0x0  }
0x18e: {  	[sflag:s23] =	ssyncadd.s32 $0xFFFFC000  }
0x18f: {  	_ =	swait.ge [sflag:s24], $0x4000  }
0x190: {  	[sflag:s24] =	ssyncset.done $0x0  }
0x191: {  	[sflag:s24] =	ssyncadd.s32 $0xFFFFC000  }
0x192: {  	_ =	swait.ge [sflag:s25], $0x4000  }
0x193: {  	[sflag:s25] =	ssyncset.done $0x0  }
0x194: {  	[sflag:s25] =	ssyncadd.s32 $0xFFFFC000  }
0x195: {  	_ =	swait.ge [sflag:s26], $0x4000  }
.Ltmp6:
0x196: {  	[sflag:s26] =	ssyncset.done $0x0;
	(pc) =	sbr.rel .LBB2_6-.Ltmp6, $4  }
0x197: {  	[sflag:s26] =	ssyncadd.s32 $0xFFFFC000  }
0x198: {  	_ =	swait.ge [sflag:s28], $0x4000  }
0x199: {  	[sflag:s28] =	ssyncset.done $0x0  }
0x19a: {  	[sflag:s28] =	ssyncadd.s32 $0xFFFFC000  }
.LBB2_8:
0x19b: {  	_ =	sfence.sel $0x180000  }
0x19c: {  	[bflag:$0x0] =	sbarrier.arrive $0xFFFF  }
0x19d: {  	_ =	strace $0x90000047  }
0x19e: {  	s0 =	stileid.u32;
	[bflag:$0x2] =	sbarrier.arrive $0xFFFF  }
0x19f: {  	p0 =	sne.s32 s0, $0x0;
	s0 =	rddreg [dreg:$0x3]  }
0x1a0: {  	s0 =	sadd.s32 @!p0 $0x100000, s0  }
0x1a1: {  	[sflag:s0] =	ssyncadd.tile.s32 @!p0 $0x1;
	_ =	shalt  }
.Lfunc_end2:
_tile_overlayer_lowered:
.L_overlay_start_2:
0x1a2: {  	(tag) =	ssettag $0x2  }
0x1a3: {  	s0 =	rddreg [dreg:$0x0];
	s2 =	stileid.u32  }
0x1a4: {  	s1 =	rddreg [dreg:$0x1];
	p0 =	sne.s32 s2, $0x0  }
0x1a5: {  	s3 =	rddreg [dreg:$0x2];
	[bflag:$0x3] =	sbarrier.arrive $0xFFFF;
	s2 =	simm.s32 @!p0 $0x1C0F  }
0x1a6: {  	[timem:s3], [sflag:s2] =	dma.local @!p0 [hbm:s0], s1  }
0x1a7: {  	s0 =	simm.s32 @!p0 $0xF  }
0x1a8: {  	_ =	swait.ge @!p0 [sflag:s0], s1  }
0x1a9: {  	s1 =	ssub.s32 @!p0 $0x0, s1;
	[sflag:s0] =	ssyncset.done @!p0 $0x0  }
0x1aa: {  	[sflag:s0] =	ssyncadd.s32 @!p0 s1  }
0x1ab: {  	[bflag:$0x3] =	sbarrier.arrive $0xFFFF  }
0x1ac: {  	_ =	shalt  }

</sc_bundles>
